<compile_context>
chip_gen: v7x
topology: tpu7x:2x2x1
jax: 0.10.2.dev20260603
libtpu: 0.0.44.dev20260713+nightly
codegen_flags: <defaults>
</compile_context>

<pallas_src>
import functools

import jax
import jax.numpy as jnp
from jax import lax
from jax.experimental import pallas as pl
from jax.experimental.pallas import tpu as pltpu
from jax.experimental.pallas import tpu_sc as plsc

NC = 2
NS = 16
NW = NC * NS
L = 16


def _sc_kernel(x, emb_table):
    B, S, E = x.shape
    rows_per_w = S // NW
    T = 4
    n_tiles = rows_per_w // T
    mesh = plsc.VectorSubcoreMesh(core_axis_name="c", subcore_axis_name="s")

    @functools.partial(
        pl.kernel,
        out_type=jax.ShapeDtypeStruct((B, S, E), jnp.float32),
        mesh=mesh,
        scratch_types=(
            [pltpu.VMEM((T, E), jnp.float32) for _ in range(2)]
            + [pltpu.VMEM((B, T, E), jnp.float32) for _ in range(2)]
            + [pltpu.VMEM((B, T, E), jnp.float32) for _ in range(2)]
            + [pltpu.SemaphoreType.DMA for _ in range(6)]
        ),
    )
    def k(x_hbm, emb_hbm, out_hbm, *scratch):
        ebuf, xbuf, obuf = scratch[0:2], scratch[2:4], scratch[4:6]
        esem, xsem, osem = scratch[6:8], scratch[8:10], scratch[10:12]
        w = lax.axis_index("s") * NC + lax.axis_index("c")
        row0 = w * rows_per_w

        def start_in(t, p):
            r = row0 + t * T
            pltpu.async_copy(emb_hbm.at[pl.ds(r, T)], ebuf[p], esem[p])
            pltpu.async_copy(x_hbm.at[:, pl.ds(r, T)], xbuf[p], xsem[p])

        def wait_in(p):
            pltpu.make_async_copy(emb_hbm.at[pl.ds(0, T)],
                                  ebuf[p], esem[p]).wait()
            pltpu.make_async_copy(x_hbm.at[:, pl.ds(0, T)],
                                  xbuf[p], xsem[p]).wait()

        def start_out(t, p):
            r = row0 + t * T
            pltpu.async_copy(obuf[p], out_hbm.at[:, pl.ds(r, T)], osem[p])

        def wait_out(p):
            pltpu.make_async_copy(obuf[p], out_hbm.at[:, pl.ds(0, T)],
                                  osem[p]).wait()

        VPR = E // L

        def compute(p):
            xb, ob, ev_ref = xbuf[p], obuf[p], ebuf[p]

            @plsc.parallel_loop(0, T * VPR, 1, unroll=8)
            def add_loop(v):
                r = v // VPR
                j = (v % VPR) * L
                ev = ev_ref[r, pl.ds(j, L)]
                for b in range(B):
                    ob[b, r, pl.ds(j, L)] = xb[b, r, pl.ds(j, L)] + ev

        start_in(0, 0)
        start_in(1, 1)

        def step(t, p, prefetch, drain):
            wait_in(p)
            if drain:
                wait_out(p)
            compute(p)
            start_out(t, p)
            if prefetch:
                start_in(t + 2, p)

        step(0, 0, prefetch=True, drain=False)
        step(1, 1, prefetch=True, drain=False)

        def group_body(g, carry):
            t = 2 + 2 * g
            step(t, 0, prefetch=True, drain=True)
            step(t + 1, 1, prefetch=True, drain=True)
            return carry

        lax.fori_loop(0, (n_tiles - 4) // 2, group_body, 0)
        step(n_tiles - 2, 0, prefetch=False, drain=True)
        step(n_tiles - 1, 1, prefetch=False, drain=True)
        wait_out(0)
        wait_out(1)

    return k(x, emb_table[:S])


def kernel(x, emb_table):
    return _sc_kernel(x, emb_table)

# --- scband reference (transcript-rebuilt; emitter-appended) ---
"""Pipeline reference for scband-positional-encoding-1022202217409 (READ-ONLY COPY).

The authoritative reference and input builder live on the scoring server;
editing this copy changes nothing except your own understanding.
"""

import jax, jax.numpy as jnp
import numpy as np

N_POSITIONS = 8192
N_EMBD = 1024
BATCH = 4
SEQ = 8192

def setup_inputs(seed: int = 0) -> dict:
    key = jax.random.key(seed)
    k1, k2 = jax.random.split(key)
    x = jax.random.normal(k1, (BATCH, SEQ, N_EMBD), dtype=jnp.float32)
    # learned embedding table (torch.nn.Embedding default init: N(0,1))
    emb_table = jax.random.normal(k2, (N_POSITIONS, N_EMBD), dtype=jnp.float32)
    return {"x": x, "emb_table": emb_table}

def reference(x, emb_table):
    # non-angular branch: pe buffer is arange(n_positions); lookup learned embeddings
    pe = jnp.arange(N_POSITIONS, dtype=jnp.int32)
    pos_idx = pe[: x.shape[1]]
    pos_emb = jnp.take(emb_table, pos_idx, axis=0)  # [S, n_embd]
    out = x + pos_emb  # broadcast over batch
    # dropout with p=0.0 is identity in eval/inference
    return out

if __name__ == "__main__":
    import jax
    _d = setup_inputs()
    print(jax.jit(kernel)(*tuple(_d.values())))

</pallas_src>

<mosaic_0001>
#map = affine_map<(d0, d1) -> (0, 0, 0)>
#map1 = affine_map<(d0, d1) -> (0, 0)>
module attributes {stable_mosaic.version = 14 : i64} {
  func.func @k(%arg0: i32, %arg1: i32, %arg2: memref<4x8192x1024xf32, #tpu.memory_space<hbm>>, %arg3: memref<8192x1024xf32, #tpu.memory_space<hbm>>, %arg4: memref<4x8192x1024xf32, #tpu.memory_space<hbm>>, %arg5: memref<4x1024xf32, #tpu.memory_space<vmem>>, %arg6: memref<4x1024xf32, #tpu.memory_space<vmem>>, %arg7: memref<4x4x1024xf32, #tpu.memory_space<vmem>>, %arg8: memref<4x4x1024xf32, #tpu.memory_space<vmem>>, %arg9: memref<4x4x1024xf32, #tpu.memory_space<vmem>>, %arg10: memref<4x4x1024xf32, #tpu.memory_space<vmem>>, %arg11: memref<!tpu.dma_semaphore, #tpu.memory_space<semaphore_mem>>, %arg12: memref<!tpu.dma_semaphore, #tpu.memory_space<semaphore_mem>>, %arg13: memref<!tpu.dma_semaphore, #tpu.memory_space<semaphore_mem>>, %arg14: memref<!tpu.dma_semaphore, #tpu.memory_space<semaphore_mem>>, %arg15: memref<!tpu.dma_semaphore, #tpu.memory_space<semaphore_mem>>, %arg16: memref<!tpu.dma_semaphore, #tpu.memory_space<semaphore_mem>>) attributes {dimension_semantics = [#tpu.dimension_semantics<core_parallel>, #tpu.dimension_semantics<subcore_parallel>], iteration_bounds = array<i64: 2, 16>, scalar_prefetch = 0 : i64, scratch_operands = 12 : i64, tpu.core_type = #tpu.core_type<sc_vector_subcore>, window_params = [{transform_indices = #map}, {transform_indices = #map1}, {transform_indices = #map}]} {
    %mul3A = arith.constant 2 : i32
    %mul3A_0 = arith.muli %arg1, %mul3A : i32
    %add3A = arith.addi %mul3A_0, %arg0 : i32
    %mul3A_1 = arith.constant 256 : i32
    %mul3A_2 = arith.muli %add3A, %mul3A_1 : i32
    %add3A_3 = arith.constant 0 : i32
    %add3A_4 = arith.addi %mul3A_2, %add3A_3 : i32
    %dma_start3A = arith.constant 0 : i32
    %dma_start3A_5 = tpu.memref_slice %arg3[%add3A_4, %dma_start3A] : memref<8192x1024xf32, #tpu.memory_space<hbm>> -> memref<4x1024xf32, #tpu.memory_space<hbm>>
    %dma_start3A_6 = arith.constant 0 : i32
    %dma_start3A_7 = tpu.memref_slice %arg3[%add3A_4, %dma_start3A_6] : memref<8192x1024xf32, #tpu.memory_space<hbm>> -> memref<4x1024xf32, #tpu.memory_space<hbm>>
    tpu.enqueue_dma source(%dma_start3A_7 : memref<4x1024xf32, #tpu.memory_space<hbm>>) target(%arg5 : memref<4x1024xf32, #tpu.memory_space<vmem>>) target_semaphore(%arg11 : memref<!tpu.dma_semaphore, #tpu.memory_space<semaphore_mem>>)
    %dma_start3A_8 = arith.constant 0 : i32
    %dma_start3A_9 = arith.constant 0 : i32
    %dma_start3A_10 = tpu.memref_slice %arg2[%dma_start3A_8, %add3A_4, %dma_start3A_9] : memref<4x8192x1024xf32, #tpu.memory_space<hbm>> -> memref<4x4x1024xf32, #tpu.memory_space<hbm>>
    %dma_start3A_11 = arith.constant 0 : i32
    %dma_start3A_12 = arith.constant 0 : i32
    %dma_start3A_13 = tpu.memref_slice %arg2[%dma_start3A_11, %add3A_4, %dma_start3A_12] : memref<4x8192x1024xf32, #tpu.memory_space<hbm>> -> memref<4x4x1024xf32, #tpu.memory_space<hbm>>
    tpu.enqueue_dma source(%dma_start3A_13 : memref<4x4x1024xf32, #tpu.memory_space<hbm>>) target(%arg7 : memref<4x4x1024xf32, #tpu.memory_space<vmem>>) target_semaphore(%arg13 : memref<!tpu.dma_semaphore, #tpu.memory_space<semaphore_mem>>)
    %add3A_14 = arith.constant 4 : i32
    %add3A_15 = arith.addi %mul3A_2, %add3A_14 : i32
    %dma_start3A_16 = arith.constant 0 : i32
    %dma_start3A_17 = tpu.memref_slice %arg3[%add3A_15, %dma_start3A_16] : memref<8192x1024xf32, #tpu.memory_space<hbm>> -> memref<4x1024xf32, #tpu.memory_space<hbm>>
    %dma_start3A_18 = arith.constant 0 : i32
    %dma_start3A_19 = tpu.memref_slice %arg3[%add3A_15, %dma_start3A_18] : memref<8192x1024xf32, #tpu.memory_space<hbm>> -> memref<4x1024xf32, #tpu.memory_space<hbm>>
    tpu.enqueue_dma source(%dma_start3A_19 : memref<4x1024xf32, #tpu.memory_space<hbm>>) target(%arg6 : memref<4x1024xf32, #tpu.memory_space<vmem>>) target_semaphore(%arg12 : memref<!tpu.dma_semaphore, #tpu.memory_space<semaphore_mem>>)
    %dma_start3A_20 = arith.constant 0 : i32
    %dma_start3A_21 = arith.constant 0 : i32
    %dma_start3A_22 = tpu.memref_slice %arg2[%dma_start3A_20, %add3A_15, %dma_start3A_21] : memref<4x8192x1024xf32, #tpu.memory_space<hbm>> -> memref<4x4x1024xf32, #tpu.memory_space<hbm>>
    %dma_start3A_23 = arith.constant 0 : i32
    %dma_start3A_24 = arith.constant 0 : i32
    %dma_start3A_25 = tpu.memref_slice %arg2[%dma_start3A_23, %add3A_15, %dma_start3A_24] : memref<4x8192x1024xf32, #tpu.memory_space<hbm>> -> memref<4x4x1024xf32, #tpu.memory_space<hbm>>
    tpu.enqueue_dma source(%dma_start3A_25 : memref<4x4x1024xf32, #tpu.memory_space<hbm>>) target(%arg8 : memref<4x4x1024xf32, #tpu.memory_space<vmem>>) target_semaphore(%arg14 : memref<!tpu.dma_semaphore, #tpu.memory_space<semaphore_mem>>)
    %dma_wait3A = arith.constant 0 : i32
    %dma_wait3A_26 = arith.constant 0 : i32
    %dma_wait3A_27 = tpu.memref_slice %arg3[%dma_wait3A, %dma_wait3A_26] : memref<8192x1024xf32, #tpu.memory_space<hbm>> -> memref<4x1024xf32, #tpu.memory_space<hbm>>
    %dma_wait3A_28 = arith.constant 0 : i32
    %dma_wait3A_29 = arith.constant 0 : i32
    %dma_wait3A_30 = tpu.memref_slice %arg3[%dma_wait3A_28, %dma_wait3A_29] : memref<8192x1024xf32, #tpu.memory_space<hbm>> -> memref<4x1024xf32, #tpu.memory_space<hbm>>
    tpu.wait_dma2 semaphore(%arg11 : memref<!tpu.dma_semaphore, #tpu.memory_space<semaphore_mem>>) src(%dma_wait3A_30 : memref<4x1024xf32, #tpu.memory_space<hbm>>) dst(%arg5 : memref<4x1024xf32, #tpu.memory_space<vmem>>)
    %dma_wait3A_31 = arith.constant 0 : i32
    %dma_wait3A_32 = arith.constant 0 : i32
    %dma_wait3A_33 = arith.constant 0 : i32
    %dma_wait3A_34 = tpu.memref_slice %arg2[%dma_wait3A_31, %dma_wait3A_32, %dma_wait3A_33] : memref<4x8192x1024xf32, #tpu.memory_space<hbm>> -> memref<4x4x1024xf32, #tpu.memory_space<hbm>>
    %dma_wait3A_35 = arith.constant 0 : i32
    %dma_wait3A_36 = arith.constant 0 : i32
    %dma_wait3A_37 = arith.constant 0 : i32
    %dma_wait3A_38 = tpu.memref_slice %arg2[%dma_wait3A_35, %dma_wait3A_36, %dma_wait3A_37] : memref<4x8192x1024xf32, #tpu.memory_space<hbm>> -> memref<4x4x1024xf32, #tpu.memory_space<hbm>>
    tpu.wait_dma2 semaphore(%arg13 : memref<!tpu.dma_semaphore, #tpu.memory_space<semaphore_mem>>) src(%dma_wait3A_38 : memref<4x4x1024xf32, #tpu.memory_space<hbm>>) dst(%arg7 : memref<4x4x1024xf32, #tpu.memory_space<vmem>>)
    %parallel_loop3A = arith.constant 0 : i32
    %parallel_loop3A_39 = arith.constant 256 : i32
    %parallel_loop3A_40 = arith.constant 1 : i32
    scf.for %parallel_loop3A_185 = %parallel_loop3A to %parallel_loop3A_39 step %parallel_loop3A_40  : i32 {
      %parallel_loop3A_186 = arith.constant 64 : i32
      %parallel_loop3A_187 = arith.divsi %parallel_loop3A_185, %parallel_loop3A_186 : i32
      %parallel_loop3A_188 = arith.constant 0 : i32
      %parallel_loop3A_189 = arith.cmpi sgt, %parallel_loop3A_185, %parallel_loop3A_188 : i32
      %parallel_loop3A_190 = arith.extui %parallel_loop3A_189 : i1 to i32
      %parallel_loop3A_191 = arith.constant 0 : i32
      %parallel_loop3A_192 = arith.cmpi slt, %parallel_loop3A_185, %parallel_loop3A_191 : i32
      %parallel_loop3A_193 = arith.extui %parallel_loop3A_192 : i1 to i32
      %parallel_loop3A_194 = arith.subi %parallel_loop3A_190, %parallel_loop3A_193 : i32
      %parallel_loop3A_195 = arith.constant 0 : i32
      %parallel_loop3A_196 = arith.cmpi sgt, %parallel_loop3A_186, %parallel_loop3A_195 : i32
      %parallel_loop3A_197 = arith.extui %parallel_loop3A_196 : i1 to i32
      %parallel_loop3A_198 = arith.constant 0 : i32
      %parallel_loop3A_199 = arith.cmpi slt, %parallel_loop3A_186, %parallel_loop3A_198 : i32
      %parallel_loop3A_200 = arith.extui %parallel_loop3A_199 : i1 to i32
      %parallel_loop3A_201 = arith.subi %parallel_loop3A_197, %parallel_loop3A_200 : i32
      %parallel_loop3A_202 = arith.cmpi ne, %parallel_loop3A_194, %parallel_loop3A_201 : i32
      %parallel_loop3A_203 = arith.remsi %parallel_loop3A_185, %parallel_loop3A_186 : i32
      %parallel_loop3A_204 = arith.constant 0 : i32
      %parallel_loop3A_205 = arith.cmpi ne, %parallel_loop3A_203, %parallel_loop3A_204 : i32
      %parallel_loop3A_206 = arith.andi %parallel_loop3A_202, %parallel_loop3A_205 : i1
      %parallel_loop3A_207 = arith.constant 1 : i32
      %parallel_loop3A_208 = arith.subi %parallel_loop3A_187, %parallel_loop3A_207 : i32
      %parallel_loop3A_209 = arith.select %parallel_loop3A_206, %parallel_loop3A_208, %parallel_loop3A_187 : i32
      %parallel_loop3A_210 = arith.constant 64 : i32
      %parallel_loop3A_211 = arith.constant 0 : i32
      %parallel_loop3A_212 = arith.cmpi eq, %parallel_loop3A_210, %parallel_loop3A_211 : i32
      %parallel_loop3A_213 = arith.constant 1 : i32
      %parallel_loop3A_214 = arith.select %parallel_loop3A_212, %parallel_loop3A_213, %parallel_loop3A_210 : i32
      %parallel_loop3A_215 = arith.remsi %parallel_loop3A_185, %parallel_loop3A_214 : i32
      %parallel_loop3A_216 = arith.constant 0 : i32
      %parallel_loop3A_217 = arith.cmpi ne, %parallel_loop3A_215, %parallel_loop3A_216 : i32
      %parallel_loop3A_218 = arith.constant 0 : i32
      %parallel_loop3A_219 = arith.cmpi slt, %parallel_loop3A_215, %parallel_loop3A_218 : i32
      %parallel_loop3A_220 = arith.constant 0 : i32
      %parallel_loop3A_221 = arith.cmpi slt, %parallel_loop3A_214, %parallel_loop3A_220 : i32
      %parallel_loop3A_222 = arith.xori %parallel_loop3A_219, %parallel_loop3A_221 : i1
      %parallel_loop3A_223 = arith.andi %parallel_loop3A_222, %parallel_loop3A_217 : i1
      %parallel_loop3A_224 = arith.addi %parallel_loop3A_215, %parallel_loop3A_214 : i32
      %parallel_loop3A_225 = arith.select %parallel_loop3A_223, %parallel_loop3A_224, %parallel_loop3A_215 : i32
      %parallel_loop3A_226 = arith.constant 16 : i32
      %parallel_loop3A_227 = arith.muli %parallel_loop3A_225, %parallel_loop3A_226 : i32
      %parallel_loop3A_228 = arith.index_cast %parallel_loop3A_209 : i32 to index
      %parallel_loop3A_229 = arith.index_cast %parallel_loop3A_227 : i32 to index
      %parallel_loop3A_230 = tpu.vector_load %arg5[%parallel_loop3A_228, %parallel_loop3A_229] {strides = array<i32>} : memref<4x1024xf32, #tpu.memory_space<vmem>>, vector<1x16xf32>,
      %parallel_loop3A_231 = vector.shape_cast %parallel_loop3A_230 : vector<1x16xf32> to vector<16xf32>
      %parallel_loop3A_232 = arith.constant 0 : i32
      %parallel_loop3A_233 = arith.index_cast %parallel_loop3A_232 : i32 to index
      %parallel_loop3A_234 = arith.index_cast %parallel_loop3A_209 : i32 to index
      %parallel_loop3A_235 = arith.index_cast %parallel_loop3A_227 : i32 to index
      %parallel_loop3A_236 = tpu.vector_load %arg7[%parallel_loop3A_233, %parallel_loop3A_234, %parallel_loop3A_235] {strides = array<i32>} : memref<4x4x1024xf32, #tpu.memory_space<vmem>>, vector<1x1x16xf32>,
      %parallel_loop3A_237 = vector.shape_cast %parallel_loop3A_236 : vector<1x1x16xf32> to vector<16xf32>
      %parallel_loop3A_238 = arith.addf %parallel_loop3A_237, %parallel_loop3A_231 : vector<16xf32>
      %parallel_loop3A_239 = arith.constant 0 : i32
      %parallel_loop3A_240 = arith.index_cast %parallel_loop3A_239 : i32 to index
      %parallel_loop3A_241 = arith.index_cast %parallel_loop3A_209 : i32 to index
      %parallel_loop3A_242 = arith.index_cast %parallel_loop3A_227 : i32 to index
      %parallel_loop3A_243 = tpu.vector_load %arg9[%parallel_loop3A_240, %parallel_loop3A_241, %parallel_loop3A_242] {strides = array<i32>} : memref<4x4x1024xf32, #tpu.memory_space<vmem>>, vector<1x1x16xf32>,
      %parallel_loop3A_244 = vector.shape_cast %parallel_loop3A_243 : vector<1x1x16xf32> to vector<16xf32>
      %parallel_loop3A_245 = vector.shape_cast %parallel_loop3A_238 : vector<16xf32> to vector<1x1x16xf32>
      tpu.vector_store %arg9[%parallel_loop3A_240, %parallel_loop3A_241, %parallel_loop3A_242], %parallel_loop3A_245 {strides = array<i32>} : memref<4x4x1024xf32, #tpu.memory_space<vmem>>, vector<1x1x16xf32>,
      %parallel_loop3A_246 = arith.constant 1 : i32
      %parallel_loop3A_247 = arith.index_cast %parallel_loop3A_246 : i32 to index
      %parallel_loop3A_248 = arith.index_cast %parallel_loop3A_209 : i32 to index
      %parallel_loop3A_249 = arith.index_cast %parallel_loop3A_227 : i32 to index
      %parallel_loop3A_250 = tpu.vector_load %arg7[%parallel_loop3A_247, %parallel_loop3A_248, %parallel_loop3A_249] {strides = array<i32>} : memref<4x4x1024xf32, #tpu.memory_space<vmem>>, vector<1x1x16xf32>,
      %parallel_loop3A_251 = vector.shape_cast %parallel_loop3A_250 : vector<1x1x16xf32> to vector<16xf32>
      %parallel_loop3A_252 = arith.addf %parallel_loop3A_251, %parallel_loop3A_231 : vector<16xf32>
      %parallel_loop3A_253 = arith.constant 1 : i32
      %parallel_loop3A_254 = arith.index_cast %parallel_loop3A_253 : i32 to index
      %parallel_loop3A_255 = arith.index_cast %parallel_loop3A_209 : i32 to index
      %parallel_loop3A_256 = arith.index_cast %parallel_loop3A_227 : i32 to index
      %parallel_loop3A_257 = tpu.vector_load %arg9[%parallel_loop3A_254, %parallel_loop3A_255, %parallel_loop3A_256] {strides = array<i32>} : memref<4x4x1024xf32, #tpu.memory_space<vmem>>, vector<1x1x16xf32>,
      %parallel_loop3A_258 = vector.shape_cast %parallel_loop3A_257 : vector<1x1x16xf32> to vector<16xf32>
      %parallel_loop3A_259 = vector.shape_cast %parallel_loop3A_252 : vector<16xf32> to vector<1x1x16xf32>
      tpu.vector_store %arg9[%parallel_loop3A_254, %parallel_loop3A_255, %parallel_loop3A_256], %parallel_loop3A_259 {strides = array<i32>} : memref<4x4x1024xf32, #tpu.memory_space<vmem>>, vector<1x1x16xf32>,
      %parallel_loop3A_260 = arith.constant 2 : i32
      %parallel_loop3A_261 = arith.index_cast %parallel_loop3A_260 : i32 to index
      %parallel_loop3A_262 = arith.index_cast %parallel_loop3A_209 : i32 to index
      %parallel_loop3A_263 = arith.index_cast %parallel_loop3A_227 : i32 to index
      %parallel_loop3A_264 = tpu.vector_load %arg7[%parallel_loop3A_261, %parallel_loop3A_262, %parallel_loop3A_263] {strides = array<i32>} : memref<4x4x1024xf32, #tpu.memory_space<vmem>>, vector<1x1x16xf32>,
      %parallel_loop3A_265 = vector.shape_cast %parallel_loop3A_264 : vector<1x1x16xf32> to vector<16xf32>
      %parallel_loop3A_266 = arith.addf %parallel_loop3A_265, %parallel_loop3A_231 : vector<16xf32>
      %parallel_loop3A_267 = arith.constant 2 : i32
      %parallel_loop3A_268 = arith.index_cast %parallel_loop3A_267 : i32 to index
      %parallel_loop3A_269 = arith.index_cast %parallel_loop3A_209 : i32 to index
      %parallel_loop3A_270 = arith.index_cast %parallel_loop3A_227 : i32 to index
      %parallel_loop3A_271 = tpu.vector_load %arg9[%parallel_loop3A_268, %parallel_loop3A_269, %parallel_loop3A_270] {strides = array<i32>} : memref<4x4x1024xf32, #tpu.memory_space<vmem>>, vector<1x1x16xf32>,
      %parallel_loop3A_272 = vector.shape_cast %parallel_loop3A_271 : vector<1x1x16xf32> to vector<16xf32>
      %parallel_loop3A_273 = vector.shape_cast %parallel_loop3A_266 : vector<16xf32> to vector<1x1x16xf32>
      tpu.vector_store %arg9[%parallel_loop3A_268, %parallel_loop3A_269, %parallel_loop3A_270], %parallel_loop3A_273 {strides = array<i32>} : memref<4x4x1024xf32, #tpu.memory_space<vmem>>, vector<1x1x16xf32>,
      %parallel_loop3A_274 = arith.constant 3 : i32
      %parallel_loop3A_275 = arith.index_cast %parallel_loop3A_274 : i32 to index
      %parallel_loop3A_276 = arith.index_cast %parallel_loop3A_209 : i32 to index
      %parallel_loop3A_277 = arith.index_cast %parallel_loop3A_227 : i32 to index
      %parallel_loop3A_278 = tpu.vector_load %arg7[%parallel_loop3A_275, %parallel_loop3A_276, %parallel_loop3A_277] {strides = array<i32>} : memref<4x4x1024xf32, #tpu.memory_space<vmem>>, vector<1x1x16xf32>,
      %parallel_loop3A_279 = vector.shape_cast %parallel_loop3A_278 : vector<1x1x16xf32> to vector<16xf32>
      %parallel_loop3A_280 = arith.addf %parallel_loop3A_279, %parallel_loop3A_231 : vector<16xf32>
      %parallel_loop3A_281 = arith.constant 3 : i32
      %parallel_loop3A_282 = arith.index_cast %parallel_loop3A_281 : i32 to index
      %parallel_loop3A_283 = arith.index_cast %parallel_loop3A_209 : i32 to index
      %parallel_loop3A_284 = arith.index_cast %parallel_loop3A_227 : i32 to index
      %parallel_loop3A_285 = tpu.vector_load %arg9[%parallel_loop3A_282, %parallel_loop3A_283, %parallel_loop3A_284] {strides = array<i32>} : memref<4x4x1024xf32, #tpu.memory_space<vmem>>, vector<1x1x16xf32>,
      %parallel_loop3A_286 = vector.shape_cast %parallel_loop3A_285 : vector<1x1x16xf32> to vector<16xf32>
      %parallel_loop3A_287 = vector.shape_cast %parallel_loop3A_280 : vector<16xf32> to vector<1x1x16xf32>
      tpu.vector_store %arg9[%parallel_loop3A_282, %parallel_loop3A_283, %parallel_loop3A_284], %parallel_loop3A_287 {strides = array<i32>} : memref<4x4x1024xf32, #tpu.memory_space<vmem>>, vector<1x1x16xf32>,
    } {sc.loop_unroll_factor = 8 : i64, sc.parallel_access}
    %add3A_41 = arith.constant 0 : i32
    %add3A_42 = arith.addi %mul3A_2, %add3A_41 : i32
    %dma_start3A_43 = arith.constant 0 : i32
    %dma_start3A_44 = arith.constant 0 : i32
    %dma_start3A_45 = tpu.memref_slice %arg4[%dma_start3A_43, %add3A_42, %dma_start3A_44] : memref<4x8192x1024xf32, #tpu.memory_space<hbm>> -> memref<4x4x1024xf32, #tpu.memory_space<hbm>>
    %dma_start3A_46 = arith.constant 0 : i32
    %dma_start3A_47 = arith.constant 0 : i32
    %dma_start3A_48 = tpu.memref_slice %arg4[%dma_start3A_46, %add3A_42, %dma_start3A_47] : memref<4x8192x1024xf32, #tpu.memory_space<hbm>> -> memref<4x4x1024xf32, #tpu.memory_space<hbm>>
    tpu.enqueue_dma source(%arg9 : memref<4x4x1024xf32, #tpu.memory_space<vmem>>) target(%dma_start3A_48 : memref<4x4x1024xf32, #tpu.memory_space<hbm>>) target_semaphore(%arg15 : memref<!tpu.dma_semaphore, #tpu.memory_space<semaphore_mem>>)
    %add3A_49 = arith.constant 8 : i32
    %add3A_50 = arith.addi %mul3A_2, %add3A_49 : i32
    %dma_start3A_51 = arith.constant 0 : i32
    %dma_start3A_52 = tpu.memref_slice %arg3[%add3A_50, %dma_start3A_51] : memref<8192x1024xf32, #tpu.memory_space<hbm>> -> memref<4x1024xf32, #tpu.memory_space<hbm>>
    %dma_start3A_53 = arith.constant 0 : i32
    %dma_start3A_54 = tpu.memref_slice %arg3[%add3A_50, %dma_start3A_53] : memref<8192x1024xf32, #tpu.memory_space<hbm>> -> memref<4x1024xf32, #tpu.memory_space<hbm>>
    tpu.enqueue_dma source(%dma_start3A_54 : memref<4x1024xf32, #tpu.memory_space<hbm>>) target(%arg5 : memref<4x1024xf32, #tpu.memory_space<vmem>>) target_semaphore(%arg11 : memref<!tpu.dma_semaphore, #tpu.memory_space<semaphore_mem>>)
    %dma_start3A_55 = arith.constant 0 : i32
    %dma_start3A_56 = arith.constant 0 : i32
    %dma_start3A_57 = tpu.memref_slice %arg2[%dma_start3A_55, %add3A_50, %dma_start3A_56] : memref<4x8192x1024xf32, #tpu.memory_space<hbm>> -> memref<4x4x1024xf32, #tpu.memory_space<hbm>>
    %dma_start3A_58 = arith.constant 0 : i32
    %dma_start3A_59 = arith.constant 0 : i32
    %dma_start3A_60 = tpu.memref_slice %arg2[%dma_start3A_58, %add3A_50, %dma_start3A_59] : memref<4x8192x1024xf32, #tpu.memory_space<hbm>> -> memref<4x4x1024xf32, #tpu.memory_space<hbm>>
    tpu.enqueue_dma source(%dma_start3A_60 : memref<4x4x1024xf32, #tpu.memory_space<hbm>>) target(%arg7 : memref<4x4x1024xf32, #tpu.memory_space<vmem>>) target_semaphore(%arg13 : memref<!tpu.dma_semaphore, #tpu.memory_space<semaphore_mem>>)
    %dma_wait3A_61 = arith.constant 0 : i32
    %dma_wait3A_62 = arith.constant 0 : i32
    %dma_wait3A_63 = tpu.memref_slice %arg3[%dma_wait3A_61, %dma_wait3A_62] : memref<8192x1024xf32, #tpu.memory_space<hbm>> -> memref<4x1024xf32, #tpu.memory_space<hbm>>
    %dma_wait3A_64 = arith.constant 0 : i32
    %dma_wait3A_65 = arith.constant 0 : i32
    %dma_wait3A_66 = tpu.memref_slice %arg3[%dma_wait3A_64, %dma_wait3A_65] : memref<8192x1024xf32, #tpu.memory_space<hbm>> -> memref<4x1024xf32, #tpu.memory_space<hbm>>
    tpu.wait_dma2 semaphore(%arg12 : memref<!tpu.dma_semaphore, #tpu.memory_space<semaphore_mem>>) src(%dma_wait3A_66 : memref<4x1024xf32, #tpu.memory_space<hbm>>) dst(%arg6 : memref<4x1024xf32, #tpu.memory_space<vmem>>)
    %dma_wait3A_67 = arith.constant 0 : i32
    %dma_wait3A_68 = arith.constant 0 : i32
    %dma_wait3A_69 = arith.constant 0 : i32
    %dma_wait3A_70 = tpu.memref_slice %arg2[%dma_wait3A_67, %dma_wait3A_68, %dma_wait3A_69] : memref<4x8192x1024xf32, #tpu.memory_space<hbm>> -> memref<4x4x1024xf32, #tpu.memory_space<hbm>>
    %dma_wait3A_71 = arith.constant 0 : i32
    %dma_wait3A_72 = arith.constant 0 : i32
    %dma_wait3A_73 = arith.constant 0 : i32
    %dma_wait3A_74 = tpu.memref_slice %arg2[%dma_wait3A_71, %dma_wait3A_72, %dma_wait3A_73] : memref<4x8192x1024xf32, #tpu.memory_space<hbm>> -> memref<4x4x1024xf32, #tpu.memory_space<hbm>>
    tpu.wait_dma2 semaphore(%arg14 : memref<!tpu.dma_semaphore, #tpu.memory_space<semaphore_mem>>) src(%dma_wait3A_74 : memref<4x4x1024xf32, #tpu.memory_space<hbm>>) dst(%arg8 : memref<4x4x1024xf32, #tpu.memory_space<vmem>>)
    %parallel_loop3A_75 = arith.constant 0 : i32
    %parallel_loop3A_76 = arith.constant 256 : i32
    %parallel_loop3A_77 = arith.constant 1 : i32
    scf.for %parallel_loop3A_185 = %parallel_loop3A_75 to %parallel_loop3A_76 step %parallel_loop3A_77  : i32 {
      %parallel_loop3A_186 = arith.constant 64 : i32
      %parallel_loop3A_187 = arith.divsi %parallel_loop3A_185, %parallel_loop3A_186 : i32
      %parallel_loop3A_188 = arith.constant 0 : i32
      %parallel_loop3A_189 = arith.cmpi sgt, %parallel_loop3A_185, %parallel_loop3A_188 : i32
      %parallel_loop3A_190 = arith.extui %parallel_loop3A_189 : i1 to i32
      %parallel_loop3A_191 = arith.constant 0 : i32
      %parallel_loop3A_192 = arith.cmpi slt, %parallel_loop3A_185, %parallel_loop3A_191 : i32
      %parallel_loop3A_193 = arith.extui %parallel_loop3A_192 : i1 to i32
      %parallel_loop3A_194 = arith.subi %parallel_loop3A_190, %parallel_loop3A_193 : i32
      %parallel_loop3A_195 = arith.constant 0 : i32
      %parallel_loop3A_196 = arith.cmpi sgt, %parallel_loop3A_186, %parallel_loop3A_195 : i32
      %parallel_loop3A_197 = arith.extui %parallel_loop3A_196 : i1 to i32
      %parallel_loop3A_198 = arith.constant 0 : i32
      %parallel_loop3A_199 = arith.cmpi slt, %parallel_loop3A_186, %parallel_loop3A_198 : i32
      %parallel_loop3A_200 = arith.extui %parallel_loop3A_199 : i1 to i32
      %parallel_loop3A_201 = arith.subi %parallel_loop3A_197, %parallel_loop3A_200 : i32
      %parallel_loop3A_202 = arith.cmpi ne, %parallel_loop3A_194, %parallel_loop3A_201 : i32
      %parallel_loop3A_203 = arith.remsi %parallel_loop3A_185, %parallel_loop3A_186 : i32
      %parallel_loop3A_204 = arith.constant 0 : i32
      %parallel_loop3A_205 = arith.cmpi ne, %parallel_loop3A_203, %parallel_loop3A_204 : i32
      %parallel_loop3A_206 = arith.andi %parallel_loop3A_202, %parallel_loop3A_205 : i1
      %parallel_loop3A_207 = arith.constant 1 : i32
      %parallel_loop3A_208 = arith.subi %parallel_loop3A_187, %parallel_loop3A_207 : i32
      %parallel_loop3A_209 = arith.select %parallel_loop3A_206, %parallel_loop3A_208, %parallel_loop3A_187 : i32
      %parallel_loop3A_210 = arith.constant 64 : i32
      %parallel_loop3A_211 = arith.constant 0 : i32
      %parallel_loop3A_212 = arith.cmpi eq, %parallel_loop3A_210, %parallel_loop3A_211 : i32
      %parallel_loop3A_213 = arith.constant 1 : i32
      %parallel_loop3A_214 = arith.select %parallel_loop3A_212, %parallel_loop3A_213, %parallel_loop3A_210 : i32
      %parallel_loop3A_215 = arith.remsi %parallel_loop3A_185, %parallel_loop3A_214 : i32
      %parallel_loop3A_216 = arith.constant 0 : i32
      %parallel_loop3A_217 = arith.cmpi ne, %parallel_loop3A_215, %parallel_loop3A_216 : i32
      %parallel_loop3A_218 = arith.constant 0 : i32
      %parallel_loop3A_219 = arith.cmpi slt, %parallel_loop3A_215, %parallel_loop3A_218 : i32
      %parallel_loop3A_220 = arith.constant 0 : i32
      %parallel_loop3A_221 = arith.cmpi slt, %parallel_loop3A_214, %parallel_loop3A_220 : i32
      %parallel_loop3A_222 = arith.xori %parallel_loop3A_219, %parallel_loop3A_221 : i1
      %parallel_loop3A_223 = arith.andi %parallel_loop3A_222, %parallel_loop3A_217 : i1
      %parallel_loop3A_224 = arith.addi %parallel_loop3A_215, %parallel_loop3A_214 : i32
      %parallel_loop3A_225 = arith.select %parallel_loop3A_223, %parallel_loop3A_224, %parallel_loop3A_215 : i32
      %parallel_loop3A_226 = arith.constant 16 : i32
      %parallel_loop3A_227 = arith.muli %parallel_loop3A_225, %parallel_loop3A_226 : i32
      %parallel_loop3A_228 = arith.index_cast %parallel_loop3A_209 : i32 to index
      %parallel_loop3A_229 = arith.index_cast %parallel_loop3A_227 : i32 to index
      %parallel_loop3A_230 = tpu.vector_load %arg6[%parallel_loop3A_228, %parallel_loop3A_229] {strides = array<i32>} : memref<4x1024xf32, #tpu.memory_space<vmem>>, vector<1x16xf32>,
      %parallel_loop3A_231 = vector.shape_cast %parallel_loop3A_230 : vector<1x16xf32> to vector<16xf32>
      %parallel_loop3A_232 = arith.constant 0 : i32
      %parallel_loop3A_233 = arith.index_cast %parallel_loop3A_232 : i32 to index
      %parallel_loop3A_234 = arith.index_cast %parallel_loop3A_209 : i32 to index
      %parallel_loop3A_235 = arith.index_cast %parallel_loop3A_227 : i32 to index
      %parallel_loop3A_236 = tpu.vector_load %arg8[%parallel_loop3A_233, %parallel_loop3A_234, %parallel_loop3A_235] {strides = array<i32>} : memref<4x4x1024xf32, #tpu.memory_space<vmem>>, vector<1x1x16xf32>,
      %parallel_loop3A_237 = vector.shape_cast %parallel_loop3A_236 : vector<1x1x16xf32> to vector<16xf32>
      %parallel_loop3A_238 = arith.addf %parallel_loop3A_237, %parallel_loop3A_231 : vector<16xf32>
      %parallel_loop3A_239 = arith.constant 0 : i32
      %parallel_loop3A_240 = arith.index_cast %parallel_loop3A_239 : i32 to index
      %parallel_loop3A_241 = arith.index_cast %parallel_loop3A_209 : i32 to index
      %parallel_loop3A_242 = arith.index_cast %parallel_loop3A_227 : i32 to index
      %parallel_loop3A_243 = tpu.vector_load %arg10[%parallel_loop3A_240, %parallel_loop3A_241, %parallel_loop3A_242] {strides = array<i32>} : memref<4x4x1024xf32, #tpu.memory_space<vmem>>, vector<1x1x16xf32>,
      %parallel_loop3A_244 = vector.shape_cast %parallel_loop3A_243 : vector<1x1x16xf32> to vector<16xf32>
      %parallel_loop3A_245 = vector.shape_cast %parallel_loop3A_238 : vector<16xf32> to vector<1x1x16xf32>
      tpu.vector_store %arg10[%parallel_loop3A_240, %parallel_loop3A_241, %parallel_loop3A_242], %parallel_loop3A_245 {strides = array<i32>} : memref<4x4x1024xf32, #tpu.memory_space<vmem>>, vector<1x1x16xf32>,
      %parallel_loop3A_246 = arith.constant 1 : i32
      %parallel_loop3A_247 = arith.index_cast %parallel_loop3A_246 : i32 to index
      %parallel_loop3A_248 = arith.index_cast %parallel_loop3A_209 : i32 to index
      %parallel_loop3A_249 = arith.index_cast %parallel_loop3A_227 : i32 to index
      %parallel_loop3A_250 = tpu.vector_load %arg8[%parallel_loop3A_247, %parallel_loop3A_248, %parallel_loop3A_249] {strides = array<i32>} : memref<4x4x1024xf32, #tpu.memory_space<vmem>>, vector<1x1x16xf32>,
      %parallel_loop3A_251 = vector.shape_cast %parallel_loop3A_250 : vector<1x1x16xf32> to vector<16xf32>
      %parallel_loop3A_252 = arith.addf %parallel_loop3A_251, %parallel_loop3A_231 : vector<16xf32>
      %parallel_loop3A_253 = arith.constant 1 : i32
      %parallel_loop3A_254 = arith.index_cast %parallel_loop3A_253 : i32 to index
      %parallel_loop3A_255 = arith.index_cast %parallel_loop3A_209 : i32 to index
      %parallel_loop3A_256 = arith.index_cast %parallel_loop3A_227 : i32 to index
      %parallel_loop3A_257 = tpu.vector_load %arg10[%parallel_loop3A_254, %parallel_loop3A_255, %parallel_loop3A_256] {strides = array<i32>} : memref<4x4x1024xf32, #tpu.memory_space<vmem>>, vector<1x1x16xf32>,
      %parallel_loop3A_258 = vector.shape_cast %parallel_loop3A_257 : vector<1x1x16xf32> to vector<16xf32>
      %parallel_loop3A_259 = vector.shape_cast %parallel_loop3A_252 : vector<16xf32> to vector<1x1x16xf32>
      tpu.vector_store %arg10[%parallel_loop3A_254, %parallel_loop3A_255, %parallel_loop3A_256], %parallel_loop3A_259 {strides = array<i32>} : memref<4x4x1024xf32, #tpu.memory_space<vmem>>, vector<1x1x16xf32>,
      %parallel_loop3A_260 = arith.constant 2 : i32
      %parallel_loop3A_261 = arith.index_cast %parallel_loop3A_260 : i32 to index
      %parallel_loop3A_262 = arith.index_cast %parallel_loop3A_209 : i32 to index
      %parallel_loop3A_263 = arith.index_cast %parallel_loop3A_227 : i32 to index
      %parallel_loop3A_264 = tpu.vector_load %arg8[%parallel_loop3A_261, %parallel_loop3A_262, %parallel_loop3A_263] {strides = array<i32>} : memref<4x4x1024xf32, #tpu.memory_space<vmem>>, vector<1x1x16xf32>,
      %parallel_loop3A_265 = vector.shape_cast %parallel_loop3A_264 : vector<1x1x16xf32> to vector<16xf32>
      %parallel_loop3A_266 = arith.addf %parallel_loop3A_265, %parallel_loop3A_231 : vector<16xf32>
      %parallel_loop3A_267 = arith.constant 2 : i32
      %parallel_loop3A_268 = arith.index_cast %parallel_loop3A_267 : i32 to index
      %parallel_loop3A_269 = arith.index_cast %parallel_loop3A_209 : i32 to index
      %parallel_loop3A_270 = arith.index_cast %parallel_loop3A_227 : i32 to index
      %parallel_loop3A_271 = tpu.vector_load %arg10[%parallel_loop3A_268, %parallel_loop3A_269, %parallel_loop3A_270] {strides = array<i32>} : memref<4x4x1024xf32, #tpu.memory_space<vmem>>, vector<1x1x16xf32>,
      %parallel_loop3A_272 = vector.shape_cast %parallel_loop3A_271 : vector<1x1x16xf32> to vector<16xf32>
      %parallel_loop3A_273 = vector.shape_cast %parallel_loop3A_266 : vector<16xf32> to vector<1x1x16xf32>
      tpu.vector_store %arg10[%parallel_loop3A_268, %parallel_loop3A_269, %parallel_loop3A_270], %parallel_loop3A_273 {strides = array<i32>} : memref<4x4x1024xf32, #tpu.memory_space<vmem>>, vector<1x1x16xf32>,
      %parallel_loop3A_274 = arith.constant 3 : i32
      %parallel_loop3A_275 = arith.index_cast %parallel_loop3A_274 : i32 to index
      %parallel_loop3A_276 = arith.index_cast %parallel_loop3A_209 : i32 to index
      %parallel_loop3A_277 = arith.index_cast %parallel_loop3A_227 : i32 to index
      %parallel_loop3A_278 = tpu.vector_load %arg8[%parallel_loop3A_275, %parallel_loop3A_276, %parallel_loop3A_277] {strides = array<i32>} : memref<4x4x1024xf32, #tpu.memory_space<vmem>>, vector<1x1x16xf32>,
      %parallel_loop3A_279 = vector.shape_cast %parallel_loop3A_278 : vector<1x1x16xf32> to vector<16xf32>
      %parallel_loop3A_280 = arith.addf %parallel_loop3A_279, %parallel_loop3A_231 : vector<16xf32>
      %parallel_loop3A_281 = arith.constant 3 : i32
      %parallel_loop3A_282 = arith.index_cast %parallel_loop3A_281 : i32 to index
      %parallel_loop3A_283 = arith.index_cast %parallel_loop3A_209 : i32 to index
      %parallel_loop3A_284 = arith.index_cast %parallel_loop3A_227 : i32 to index
      %parallel_loop3A_285 = tpu.vector_load %arg10[%parallel_loop3A_282, %parallel_loop3A_283, %parallel_loop3A_284] {strides = array<i32>} : memref<4x4x1024xf32, #tpu.memory_space<vmem>>, vector<1x1x16xf32>,
      %parallel_loop3A_286 = vector.shape_cast %parallel_loop3A_285 : vector<1x1x16xf32> to vector<16xf32>
      %parallel_loop3A_287 = vector.shape_cast %parallel_loop3A_280 : vector<16xf32> to vector<1x1x16xf32>
      tpu.vector_store %arg10[%parallel_loop3A_282, %parallel_loop3A_283, %parallel_loop3A_284], %parallel_loop3A_287 {strides = array<i32>} : memref<4x4x1024xf32, #tpu.memory_space<vmem>>, vector<1x1x16xf32>,
    } {sc.loop_unroll_factor = 8 : i64, sc.parallel_access}
    %add3A_78 = arith.constant 4 : i32
    %add3A_79 = arith.addi %mul3A_2, %add3A_78 : i32
    %dma_start3A_80 = arith.constant 0 : i32
    %dma_start3A_81 = arith.constant 0 : i32
    %dma_start3A_82 = tpu.memref_slice %arg4[%dma_start3A_80, %add3A_79, %dma_start3A_81] : memref<4x8192x1024xf32, #tpu.memory_space<hbm>> -> memref<4x4x1024xf32, #tpu.memory_space<hbm>>
    %dma_start3A_83 = arith.constant 0 : i32
    %dma_start3A_84 = arith.constant 0 : i32
    %dma_start3A_85 = tpu.memref_slice %arg4[%dma_start3A_83, %add3A_79, %dma_start3A_84] : memref<4x8192x1024xf32, #tpu.memory_space<hbm>> -> memref<4x4x1024xf32, #tpu.memory_space<hbm>>
    tpu.enqueue_dma source(%arg10 : memref<4x4x1024xf32, #tpu.memory_space<vmem>>) target(%dma_start3A_85 : memref<4x4x1024xf32, #tpu.memory_space<hbm>>) target_semaphore(%arg16 : memref<!tpu.dma_semaphore, #tpu.memory_space<semaphore_mem>>)
    %add3A_86 = arith.constant 12 : i32
    %add3A_87 = arith.addi %mul3A_2, %add3A_86 : i32
    %dma_start3A_88 = arith.constant 0 : i32
    %dma_start3A_89 = tpu.memref_slice %arg3[%add3A_87, %dma_start3A_88] : memref<8192x1024xf32, #tpu.memory_space<hbm>> -> memref<4x1024xf32, #tpu.memory_space<hbm>>
    %dma_start3A_90 = arith.constant 0 : i32
    %dma_start3A_91 = tpu.memref_slice %arg3[%add3A_87, %dma_start3A_90] : memref<8192x1024xf32, #tpu.memory_space<hbm>> -> memref<4x1024xf32, #tpu.memory_space<hbm>>
    tpu.enqueue_dma source(%dma_start3A_91 : memref<4x1024xf32, #tpu.memory_space<hbm>>) target(%arg6 : memref<4x1024xf32, #tpu.memory_space<vmem>>) target_semaphore(%arg12 : memref<!tpu.dma_semaphore, #tpu.memory_space<semaphore_mem>>)
    %dma_start3A_92 = arith.constant 0 : i32
    %dma_start3A_93 = arith.constant 0 : i32
    %dma_start3A_94 = tpu.memref_slice %arg2[%dma_start3A_92, %add3A_87, %dma_start3A_93] : memref<4x8192x1024xf32, #tpu.memory_space<hbm>> -> memref<4x4x1024xf32, #tpu.memory_space<hbm>>
    %dma_start3A_95 = arith.constant 0 : i32
    %dma_start3A_96 = arith.constant 0 : i32
    %dma_start3A_97 = tpu.memref_slice %arg2[%dma_start3A_95, %add3A_87, %dma_start3A_96] : memref<4x8192x1024xf32, #tpu.memory_space<hbm>> -> memref<4x4x1024xf32, #tpu.memory_space<hbm>>
    tpu.enqueue_dma source(%dma_start3A_97 : memref<4x4x1024xf32, #tpu.memory_space<hbm>>) target(%arg8 : memref<4x4x1024xf32, #tpu.memory_space<vmem>>) target_semaphore(%arg14 : memref<!tpu.dma_semaphore, #tpu.memory_space<semaphore_mem>>)
    %scan3A = arith.constant 0 : i32
    %scan3A_98 = arith.constant 0 : i32
    %scan3A_99 = arith.constant 30 : i32
    %scan3A_100 = arith.addi %scan3A_98, %scan3A_99 : i32
    %scan3A_101 = arith.constant 1 : i32
    scf.for %scan3A_185 = %scan3A_98 to %scan3A_100 step %scan3A_101  : i32 {
      %mul3A_186 = arith.constant 2 : i32
      %mul3A_187 = arith.muli %mul3A_186, %scan3A_185 : i32
      %add3A_188 = arith.constant 2 : i32
      %add3A_189 = arith.addi %add3A_188, %mul3A_187 : i32
      %dma_wait3A_190 = arith.constant 0 : i32
      %dma_wait3A_191 = arith.constant 0 : i32
      %dma_wait3A_192 = tpu.memref_slice %arg3[%dma_wait3A_190, %dma_wait3A_191] : memref<8192x1024xf32, #tpu.memory_space<hbm>> -> memref<4x1024xf32, #tpu.memory_space<hbm>>
      %dma_wait3A_193 = arith.constant 0 : i32
      %dma_wait3A_194 = arith.constant 0 : i32
      %dma_wait3A_195 = tpu.memref_slice %arg3[%dma_wait3A_193, %dma_wait3A_194] : memref<8192x1024xf32, #tpu.memory_space<hbm>> -> memref<4x1024xf32, #tpu.memory_space<hbm>>
      tpu.wait_dma2 semaphore(%arg11 : memref<!tpu.dma_semaphore, #tpu.memory_space<semaphore_mem>>) src(%dma_wait3A_195 : memref<4x1024xf32, #tpu.memory_space<hbm>>) dst(%arg5 : memref<4x1024xf32, #tpu.memory_space<vmem>>)
      %dma_wait3A_196 = arith.constant 0 : i32
      %dma_wait3A_197 = arith.constant 0 : i32
      %dma_wait3A_198 = arith.constant 0 : i32
      %dma_wait3A_199 = tpu.memref_slice %arg2[%dma_wait3A_196, %dma_wait3A_197, %dma_wait3A_198] : memref<4x8192x1024xf32, #tpu.memory_space<hbm>> -> memref<4x4x1024xf32, #tpu.memory_space<hbm>>
      %dma_wait3A_200 = arith.constant 0 : i32
      %dma_wait3A_201 = arith.constant 0 : i32
      %dma_wait3A_202 = arith.constant 0 : i32
      %dma_wait3A_203 = tpu.memref_slice %arg2[%dma_wait3A_200, %dma_wait3A_201, %dma_wait3A_202] : memref<4x8192x1024xf32, #tpu.memory_space<hbm>> -> memref<4x4x1024xf32, #tpu.memory_space<hbm>>
      tpu.wait_dma2 semaphore(%arg13 : memref<!tpu.dma_semaphore, #tpu.memory_space<semaphore_mem>>) src(%dma_wait3A_203 : memref<4x4x1024xf32, #tpu.memory_space<hbm>>) dst(%arg7 : memref<4x4x1024xf32, #tpu.memory_space<vmem>>)
      %dma_wait3A_204 = arith.constant 0 : i32
      %dma_wait3A_205 = arith.constant 0 : i32
      %dma_wait3A_206 = arith.constant 0 : i32
      %dma_wait3A_207 = tpu.memref_slice %arg4[%dma_wait3A_204, %dma_wait3A_205, %dma_wait3A_206] : memref<4x8192x1024xf32, #tpu.memory_space<hbm>> -> memref<4x4x1024xf32, #tpu.memory_space<hbm>>
      %dma_wait3A_208 = arith.constant 0 : i32
      %dma_wait3A_209 = arith.constant 0 : i32
      %dma_wait3A_210 = arith.constant 0 : i32
      %dma_wait3A_211 = tpu.memref_slice %arg4[%dma_wait3A_208, %dma_wait3A_209, %dma_wait3A_210] : memref<4x8192x1024xf32, #tpu.memory_space<hbm>> -> memref<4x4x1024xf32, #tpu.memory_space<hbm>>
      tpu.wait_dma2 semaphore(%arg15 : memref<!tpu.dma_semaphore, #tpu.memory_space<semaphore_mem>>) src(%arg9 : memref<4x4x1024xf32, #tpu.memory_space<vmem>>) dst(%dma_wait3A_211 : memref<4x4x1024xf32, #tpu.memory_space<hbm>>)
      %parallel_loop3A_212 = arith.constant 0 : i32
      %parallel_loop3A_213 = arith.constant 256 : i32
      %parallel_loop3A_214 = arith.constant 1 : i32
      scf.for %parallel_loop3A_290 = %parallel_loop3A_212 to %parallel_loop3A_213 step %parallel_loop3A_214  : i32 {
        %parallel_loop3A_291 = arith.constant 64 : i32
        %parallel_loop3A_292 = arith.divsi %parallel_loop3A_290, %parallel_loop3A_291 : i32
        %parallel_loop3A_293 = arith.constant 0 : i32
        %parallel_loop3A_294 = arith.cmpi sgt, %parallel_loop3A_290, %parallel_loop3A_293 : i32
        %parallel_loop3A_295 = arith.extui %parallel_loop3A_294 : i1 to i32
        %parallel_loop3A_296 = arith.constant 0 : i32
        %parallel_loop3A_297 = arith.cmpi slt, %parallel_loop3A_290, %parallel_loop3A_296 : i32
        %parallel_loop3A_298 = arith.extui %parallel_loop3A_297 : i1 to i32
        %parallel_loop3A_299 = arith.subi %parallel_loop3A_295, %parallel_loop3A_298 : i32
        %parallel_loop3A_300 = arith.constant 0 : i32
        %parallel_loop3A_301 = arith.cmpi sgt, %parallel_loop3A_291, %parallel_loop3A_300 : i32
        %parallel_loop3A_302 = arith.extui %parallel_loop3A_301 : i1 to i32
        %parallel_loop3A_303 = arith.constant 0 : i32
        %parallel_loop3A_304 = arith.cmpi slt, %parallel_loop3A_291, %parallel_loop3A_303 : i32
        %parallel_loop3A_305 = arith.extui %parallel_loop3A_304 : i1 to i32
        %parallel_loop3A_306 = arith.subi %parallel_loop3A_302, %parallel_loop3A_305 : i32
        %parallel_loop3A_307 = arith.cmpi ne, %parallel_loop3A_299, %parallel_loop3A_306 : i32
        %parallel_loop3A_308 = arith.remsi %parallel_loop3A_290, %parallel_loop3A_291 : i32
        %parallel_loop3A_309 = arith.constant 0 : i32
        %parallel_loop3A_310 = arith.cmpi ne, %parallel_loop3A_308, %parallel_loop3A_309 : i32
        %parallel_loop3A_311 = arith.andi %parallel_loop3A_307, %parallel_loop3A_310 : i1
        %parallel_loop3A_312 = arith.constant 1 : i32
        %parallel_loop3A_313 = arith.subi %parallel_loop3A_292, %parallel_loop3A_312 : i32
        %parallel_loop3A_314 = arith.select %parallel_loop3A_311, %parallel_loop3A_313, %parallel_loop3A_292 : i32
        %parallel_loop3A_315 = arith.constant 64 : i32
        %parallel_loop3A_316 = arith.constant 0 : i32
        %parallel_loop3A_317 = arith.cmpi eq, %parallel_loop3A_315, %parallel_loop3A_316 : i32
        %parallel_loop3A_318 = arith.constant 1 : i32
        %parallel_loop3A_319 = arith.select %parallel_loop3A_317, %parallel_loop3A_318, %parallel_loop3A_315 : i32
        %parallel_loop3A_320 = arith.remsi %parallel_loop3A_290, %parallel_loop3A_319 : i32
        %parallel_loop3A_321 = arith.constant 0 : i32
        %parallel_loop3A_322 = arith.cmpi ne, %parallel_loop3A_320, %parallel_loop3A_321 : i32
        %parallel_loop3A_323 = arith.constant 0 : i32
        %parallel_loop3A_324 = arith.cmpi slt, %parallel_loop3A_320, %parallel_loop3A_323 : i32
        %parallel_loop3A_325 = arith.constant 0 : i32
        %parallel_loop3A_326 = arith.cmpi slt, %parallel_loop3A_319, %parallel_loop3A_325 : i32
        %parallel_loop3A_327 = arith.xori %parallel_loop3A_324, %parallel_loop3A_326 : i1
        %parallel_loop3A_328 = arith.andi %parallel_loop3A_327, %parallel_loop3A_322 : i1
        %parallel_loop3A_329 = arith.addi %parallel_loop3A_320, %parallel_loop3A_319 : i32
        %parallel_loop3A_330 = arith.select %parallel_loop3A_328, %parallel_loop3A_329, %parallel_loop3A_320 : i32
        %parallel_loop3A_331 = arith.constant 16 : i32
        %parallel_loop3A_332 = arith.muli %parallel_loop3A_330, %parallel_loop3A_331 : i32
        %parallel_loop3A_333 = arith.index_cast %parallel_loop3A_314 : i32 to index
        %parallel_loop3A_334 = arith.index_cast %parallel_loop3A_332 : i32 to index
        %parallel_loop3A_335 = tpu.vector_load %arg5[%parallel_loop3A_333, %parallel_loop3A_334] {strides = array<i32>} : memref<4x1024xf32, #tpu.memory_space<vmem>>, vector<1x16xf32>,
        %parallel_loop3A_336 = vector.shape_cast %parallel_loop3A_335 : vector<1x16xf32> to vector<16xf32>
        %parallel_loop3A_337 = arith.constant 0 : i32
        %parallel_loop3A_338 = arith.index_cast %parallel_loop3A_337 : i32 to index
        %parallel_loop3A_339 = arith.index_cast %parallel_loop3A_314 : i32 to index
        %parallel_loop3A_340 = arith.index_cast %parallel_loop3A_332 : i32 to index
        %parallel_loop3A_341 = tpu.vector_load %arg7[%parallel_loop3A_338, %parallel_loop3A_339, %parallel_loop3A_340] {strides = array<i32>} : memref<4x4x1024xf32, #tpu.memory_space<vmem>>, vector<1x1x16xf32>,
        %parallel_loop3A_342 = vector.shape_cast %parallel_loop3A_341 : vector<1x1x16xf32> to vector<16xf32>
        %parallel_loop3A_343 = arith.addf %parallel_loop3A_342, %parallel_loop3A_336 : vector<16xf32>
        %parallel_loop3A_344 = arith.constant 0 : i32
        %parallel_loop3A_345 = arith.index_cast %parallel_loop3A_344 : i32 to index
        %parallel_loop3A_346 = arith.index_cast %parallel_loop3A_314 : i32 to index
        %parallel_loop3A_347 = arith.index_cast %parallel_loop3A_332 : i32 to index
        %parallel_loop3A_348 = tpu.vector_load %arg9[%parallel_loop3A_345, %parallel_loop3A_346, %parallel_loop3A_347] {strides = array<i32>} : memref<4x4x1024xf32, #tpu.memory_space<vmem>>, vector<1x1x16xf32>,
        %parallel_loop3A_349 = vector.shape_cast %parallel_loop3A_348 : vector<1x1x16xf32> to vector<16xf32>
        %parallel_loop3A_350 = vector.shape_cast %parallel_loop3A_343 : vector<16xf32> to vector<1x1x16xf32>
        tpu.vector_store %arg9[%parallel_loop3A_345, %parallel_loop3A_346, %parallel_loop3A_347], %parallel_loop3A_350 {strides = array<i32>} : memref<4x4x1024xf32, #tpu.memory_space<vmem>>, vector<1x1x16xf32>,
        %parallel_loop3A_351 = arith.constant 1 : i32
        %parallel_loop3A_352 = arith.index_cast %parallel_loop3A_351 : i32 to index
        %parallel_loop3A_353 = arith.index_cast %parallel_loop3A_314 : i32 to index
        %parallel_loop3A_354 = arith.index_cast %parallel_loop3A_332 : i32 to index
        %parallel_loop3A_355 = tpu.vector_load %arg7[%parallel_loop3A_352, %parallel_loop3A_353, %parallel_loop3A_354] {strides = array<i32>} : memref<4x4x1024xf32, #tpu.memory_space<vmem>>, vector<1x1x16xf32>,
        %parallel_loop3A_356 = vector.shape_cast %parallel_loop3A_355 : vector<1x1x16xf32> to vector<16xf32>
        %parallel_loop3A_357 = arith.addf %parallel_loop3A_356, %parallel_loop3A_336 : vector<16xf32>
        %parallel_loop3A_358 = arith.constant 1 : i32
        %parallel_loop3A_359 = arith.index_cast %parallel_loop3A_358 : i32 to index
        %parallel_loop3A_360 = arith.index_cast %parallel_loop3A_314 : i32 to index
        %parallel_loop3A_361 = arith.index_cast %parallel_loop3A_332 : i32 to index
        %parallel_loop3A_362 = tpu.vector_load %arg9[%parallel_loop3A_359, %parallel_loop3A_360, %parallel_loop3A_361] {strides = array<i32>} : memref<4x4x1024xf32, #tpu.memory_space<vmem>>, vector<1x1x16xf32>,
        %parallel_loop3A_363 = vector.shape_cast %parallel_loop3A_362 : vector<1x1x16xf32> to vector<16xf32>
        %parallel_loop3A_364 = vector.shape_cast %parallel_loop3A_357 : vector<16xf32> to vector<1x1x16xf32>
        tpu.vector_store %arg9[%parallel_loop3A_359, %parallel_loop3A_360, %parallel_loop3A_361], %parallel_loop3A_364 {strides = array<i32>} : memref<4x4x1024xf32, #tpu.memory_space<vmem>>, vector<1x1x16xf32>,
        %parallel_loop3A_365 = arith.constant 2 : i32
        %parallel_loop3A_366 = arith.index_cast %parallel_loop3A_365 : i32 to index
        %parallel_loop3A_367 = arith.index_cast %parallel_loop3A_314 : i32 to index
        %parallel_loop3A_368 = arith.index_cast %parallel_loop3A_332 : i32 to index
        %parallel_loop3A_369 = tpu.vector_load %arg7[%parallel_loop3A_366, %parallel_loop3A_367, %parallel_loop3A_368] {strides = array<i32>} : memref<4x4x1024xf32, #tpu.memory_space<vmem>>, vector<1x1x16xf32>,
        %parallel_loop3A_370 = vector.shape_cast %parallel_loop3A_369 : vector<1x1x16xf32> to vector<16xf32>
        %parallel_loop3A_371 = arith.addf %parallel_loop3A_370, %parallel_loop3A_336 : vector<16xf32>
        %parallel_loop3A_372 = arith.constant 2 : i32
        %parallel_loop3A_373 = arith.index_cast %parallel_loop3A_372 : i32 to index
        %parallel_loop3A_374 = arith.index_cast %parallel_loop3A_314 : i32 to index
        %parallel_loop3A_375 = arith.index_cast %parallel_loop3A_332 : i32 to index
        %parallel_loop3A_376 = tpu.vector_load %arg9[%parallel_loop3A_373, %parallel_loop3A_374, %parallel_loop3A_375] {strides = array<i32>} : memref<4x4x1024xf32, #tpu.memory_space<vmem>>, vector<1x1x16xf32>,
        %parallel_loop3A_377 = vector.shape_cast %parallel_loop3A_376 : vector<1x1x16xf32> to vector<16xf32>
        %parallel_loop3A_378 = vector.shape_cast %parallel_loop3A_371 : vector<16xf32> to vector<1x1x16xf32>
        tpu.vector_store %arg9[%parallel_loop3A_373, %parallel_loop3A_374, %parallel_loop3A_375], %parallel_loop3A_378 {strides = array<i32>} : memref<4x4x1024xf32, #tpu.memory_space<vmem>>, vector<1x1x16xf32>,
        %parallel_loop3A_379 = arith.constant 3 : i32
        %parallel_loop3A_380 = arith.index_cast %parallel_loop3A_379 : i32 to index
        %parallel_loop3A_381 = arith.index_cast %parallel_loop3A_314 : i32 to index
        %parallel_loop3A_382 = arith.index_cast %parallel_loop3A_332 : i32 to index
        %parallel_loop3A_383 = tpu.vector_load %arg7[%parallel_loop3A_380, %parallel_loop3A_381, %parallel_loop3A_382] {strides = array<i32>} : memref<4x4x1024xf32, #tpu.memory_space<vmem>>, vector<1x1x16xf32>,
        %parallel_loop3A_384 = vector.shape_cast %parallel_loop3A_383 : vector<1x1x16xf32> to vector<16xf32>
        %parallel_loop3A_385 = arith.addf %parallel_loop3A_384, %parallel_loop3A_336 : vector<16xf32>
        %parallel_loop3A_386 = arith.constant 3 : i32
        %parallel_loop3A_387 = arith.index_cast %parallel_loop3A_386 : i32 to index
        %parallel_loop3A_388 = arith.index_cast %parallel_loop3A_314 : i32 to index
        %parallel_loop3A_389 = arith.index_cast %parallel_loop3A_332 : i32 to index
        %parallel_loop3A_390 = tpu.vector_load %arg9[%parallel_loop3A_387, %parallel_loop3A_388, %parallel_loop3A_389] {strides = array<i32>} : memref<4x4x1024xf32, #tpu.memory_space<vmem>>, vector<1x1x16xf32>,
        %parallel_loop3A_391 = vector.shape_cast %parallel_loop3A_390 : vector<1x1x16xf32> to vector<16xf32>
        %parallel_loop3A_392 = vector.shape_cast %parallel_loop3A_385 : vector<16xf32> to vector<1x1x16xf32>
        tpu.vector_store %arg9[%parallel_loop3A_387, %parallel_loop3A_388, %parallel_loop3A_389], %parallel_loop3A_392 {strides = array<i32>} : memref<4x4x1024xf32, #tpu.memory_space<vmem>>, vector<1x1x16xf32>,
      } {sc.loop_unroll_factor = 8 : i64, sc.parallel_access}
      %mul3A_215 = arith.constant 4 : i32
      %mul3A_216 = arith.muli %add3A_189, %mul3A_215 : i32
      %add3A_217 = arith.addi %mul3A_2, %mul3A_216 : i32
      %dma_start3A_218 = arith.constant 0 : i32
      %dma_start3A_219 = arith.constant 0 : i32
      %dma_start3A_220 = tpu.memref_slice %arg4[%dma_start3A_218, %add3A_217, %dma_start3A_219] : memref<4x8192x1024xf32, #tpu.memory_space<hbm>> -> memref<4x4x1024xf32, #tpu.memory_space<hbm>>
      %dma_start3A_221 = arith.constant 0 : i32
      %dma_start3A_222 = arith.constant 0 : i32
      %dma_start3A_223 = tpu.memref_slice %arg4[%dma_start3A_221, %add3A_217, %dma_start3A_222] : memref<4x8192x1024xf32, #tpu.memory_space<hbm>> -> memref<4x4x1024xf32, #tpu.memory_space<hbm>>
      tpu.enqueue_dma source(%arg9 : memref<4x4x1024xf32, #tpu.memory_space<vmem>>) target(%dma_start3A_223 : memref<4x4x1024xf32, #tpu.memory_space<hbm>>) target_semaphore(%arg15 : memref<!tpu.dma_semaphore, #tpu.memory_space<semaphore_mem>>)
      %add3A_224 = arith.constant 2 : i32
      %add3A_225 = arith.addi %add3A_189, %add3A_224 : i32
      %mul3A_226 = arith.constant 4 : i32
      %mul3A_227 = arith.muli %add3A_225, %mul3A_226 : i32
      %add3A_228 = arith.addi %mul3A_2, %mul3A_227 : i32
      %dma_start3A_229 = arith.constant 0 : i32
      %dma_start3A_230 = tpu.memref_slice %arg3[%add3A_228, %dma_start3A_229] : memref<8192x1024xf32, #tpu.memory_space<hbm>> -> memref<4x1024xf32, #tpu.memory_space<hbm>>
      %dma_start3A_231 = arith.constant 0 : i32
      %dma_start3A_232 = tpu.memref_slice %arg3[%add3A_228, %dma_start3A_231] : memref<8192x1024xf32, #tpu.memory_space<hbm>> -> memref<4x1024xf32, #tpu.memory_space<hbm>>
      tpu.enqueue_dma source(%dma_start3A_232 : memref<4x1024xf32, #tpu.memory_space<hbm>>) target(%arg5 : memref<4x1024xf32, #tpu.memory_space<vmem>>) target_semaphore(%arg11 : memref<!tpu.dma_semaphore, #tpu.memory_space<semaphore_mem>>)
      %dma_start3A_233 = arith.constant 0 : i32
      %dma_start3A_234 = arith.constant 0 : i32
      %dma_start3A_235 = tpu.memref_slice %arg2[%dma_start3A_233, %add3A_228, %dma_start3A_234] : memref<4x8192x1024xf32, #tpu.memory_space<hbm>> -> memref<4x4x1024xf32, #tpu.memory_space<hbm>>
      %dma_start3A_236 = arith.constant 0 : i32
      %dma_start3A_237 = arith.constant 0 : i32
      %dma_start3A_238 = tpu.memref_slice %arg2[%dma_start3A_236, %add3A_228, %dma_start3A_237] : memref<4x8192x1024xf32, #tpu.memory_space<hbm>> -> memref<4x4x1024xf32, #tpu.memory_space<hbm>>
      tpu.enqueue_dma source(%dma_start3A_238 : memref<4x4x1024xf32, #tpu.memory_space<hbm>>) target(%arg7 : memref<4x4x1024xf32, #tpu.memory_space<vmem>>) target_semaphore(%arg13 : memref<!tpu.dma_semaphore, #tpu.memory_space<semaphore_mem>>)
      %add3A_239 = arith.constant 1 : i32
      %add3A_240 = arith.addi %add3A_189, %add3A_239 : i32
      %dma_wait3A_241 = arith.constant 0 : i32
      %dma_wait3A_242 = arith.constant 0 : i32
      %dma_wait3A_243 = tpu.memref_slice %arg3[%dma_wait3A_241, %dma_wait3A_242] : memref<8192x1024xf32, #tpu.memory_space<hbm>> -> memref<4x1024xf32, #tpu.memory_space<hbm>>
      %dma_wait3A_244 = arith.constant 0 : i32
      %dma_wait3A_245 = arith.constant 0 : i32
      %dma_wait3A_246 = tpu.memref_slice %arg3[%dma_wait3A_244, %dma_wait3A_245] : memref<8192x1024xf32, #tpu.memory_space<hbm>> -> memref<4x1024xf32, #tpu.memory_space<hbm>>
      tpu.wait_dma2 semaphore(%arg12 : memref<!tpu.dma_semaphore, #tpu.memory_space<semaphore_mem>>) src(%dma_wait3A_246 : memref<4x1024xf32, #tpu.memory_space<hbm>>) dst(%arg6 : memref<4x1024xf32, #tpu.memory_space<vmem>>)
      %dma_wait3A_247 = arith.constant 0 : i32
      %dma_wait3A_248 = arith.constant 0 : i32
      %dma_wait3A_249 = arith.constant 0 : i32
      %dma_wait3A_250 = tpu.memref_slice %arg2[%dma_wait3A_247, %dma_wait3A_248, %dma_wait3A_249] : memref<4x8192x1024xf32, #tpu.memory_space<hbm>> -> memref<4x4x1024xf32, #tpu.memory_space<hbm>>
      %dma_wait3A_251 = arith.constant 0 : i32
      %dma_wait3A_252 = arith.constant 0 : i32
      %dma_wait3A_253 = arith.constant 0 : i32
      %dma_wait3A_254 = tpu.memref_slice %arg2[%dma_wait3A_251, %dma_wait3A_252, %dma_wait3A_253] : memref<4x8192x1024xf32, #tpu.memory_space<hbm>> -> memref<4x4x1024xf32, #tpu.memory_space<hbm>>
      tpu.wait_dma2 semaphore(%arg14 : memref<!tpu.dma_semaphore, #tpu.memory_space<semaphore_mem>>) src(%dma_wait3A_254 : memref<4x4x1024xf32, #tpu.memory_space<hbm>>) dst(%arg8 : memref<4x4x1024xf32, #tpu.memory_space<vmem>>)
      %dma_wait3A_255 = arith.constant 0 : i32
      %dma_wait3A_256 = arith.constant 0 : i32
      %dma_wait3A_257 = arith.constant 0 : i32
      %dma_wait3A_258 = tpu.memref_slice %arg4[%dma_wait3A_255, %dma_wait3A_256, %dma_wait3A_257] : memref<4x8192x1024xf32, #tpu.memory_space<hbm>> -> memref<4x4x1024xf32, #tpu.memory_space<hbm>>
      %dma_wait3A_259 = arith.constant 0 : i32
      %dma_wait3A_260 = arith.constant 0 : i32
      %dma_wait3A_261 = arith.constant 0 : i32
      %dma_wait3A_262 = tpu.memref_slice %arg4[%dma_wait3A_259, %dma_wait3A_260, %dma_wait3A_261] : memref<4x8192x1024xf32, #tpu.memory_space<hbm>> -> memref<4x4x1024xf32, #tpu.memory_space<hbm>>
      tpu.wait_dma2 semaphore(%arg16 : memref<!tpu.dma_semaphore, #tpu.memory_space<semaphore_mem>>) src(%arg10 : memref<4x4x1024xf32, #tpu.memory_space<vmem>>) dst(%dma_wait3A_262 : memref<4x4x1024xf32, #tpu.memory_space<hbm>>)
      %parallel_loop3A_263 = arith.constant 0 : i32
      %parallel_loop3A_264 = arith.constant 256 : i32
      %parallel_loop3A_265 = arith.constant 1 : i32
      scf.for %parallel_loop3A_290 = %parallel_loop3A_263 to %parallel_loop3A_264 step %parallel_loop3A_265  : i32 {
        %parallel_loop3A_291 = arith.constant 64 : i32
        %parallel_loop3A_292 = arith.divsi %parallel_loop3A_290, %parallel_loop3A_291 : i32
        %parallel_loop3A_293 = arith.constant 0 : i32
        %parallel_loop3A_294 = arith.cmpi sgt, %parallel_loop3A_290, %parallel_loop3A_293 : i32
        %parallel_loop3A_295 = arith.extui %parallel_loop3A_294 : i1 to i32
        %parallel_loop3A_296 = arith.constant 0 : i32
        %parallel_loop3A_297 = arith.cmpi slt, %parallel_loop3A_290, %parallel_loop3A_296 : i32
        %parallel_loop3A_298 = arith.extui %parallel_loop3A_297 : i1 to i32
        %parallel_loop3A_299 = arith.subi %parallel_loop3A_295, %parallel_loop3A_298 : i32
        %parallel_loop3A_300 = arith.constant 0 : i32
        %parallel_loop3A_301 = arith.cmpi sgt, %parallel_loop3A_291, %parallel_loop3A_300 : i32
        %parallel_loop3A_302 = arith.extui %parallel_loop3A_301 : i1 to i32
        %parallel_loop3A_303 = arith.constant 0 : i32
        %parallel_loop3A_304 = arith.cmpi slt, %parallel_loop3A_291, %parallel_loop3A_303 : i32
        %parallel_loop3A_305 = arith.extui %parallel_loop3A_304 : i1 to i32
        %parallel_loop3A_306 = arith.subi %parallel_loop3A_302, %parallel_loop3A_305 : i32
        %parallel_loop3A_307 = arith.cmpi ne, %parallel_loop3A_299, %parallel_loop3A_306 : i32
        %parallel_loop3A_308 = arith.remsi %parallel_loop3A_290, %parallel_loop3A_291 : i32
        %parallel_loop3A_309 = arith.constant 0 : i32
        %parallel_loop3A_310 = arith.cmpi ne, %parallel_loop3A_308, %parallel_loop3A_309 : i32
        %parallel_loop3A_311 = arith.andi %parallel_loop3A_307, %parallel_loop3A_310 : i1
        %parallel_loop3A_312 = arith.constant 1 : i32
        %parallel_loop3A_313 = arith.subi %parallel_loop3A_292, %parallel_loop3A_312 : i32
        %parallel_loop3A_314 = arith.select %parallel_loop3A_311, %parallel_loop3A_313, %parallel_loop3A_292 : i32
        %parallel_loop3A_315 = arith.constant 64 : i32
        %parallel_loop3A_316 = arith.constant 0 : i32
        %parallel_loop3A_317 = arith.cmpi eq, %parallel_loop3A_315, %parallel_loop3A_316 : i32
        %parallel_loop3A_318 = arith.constant 1 : i32
        %parallel_loop3A_319 = arith.select %parallel_loop3A_317, %parallel_loop3A_318, %parallel_loop3A_315 : i32
        %parallel_loop3A_320 = arith.remsi %parallel_loop3A_290, %parallel_loop3A_319 : i32
        %parallel_loop3A_321 = arith.constant 0 : i32
        %parallel_loop3A_322 = arith.cmpi ne, %parallel_loop3A_320, %parallel_loop3A_321 : i32
        %parallel_loop3A_323 = arith.constant 0 : i32
        %parallel_loop3A_324 = arith.cmpi slt, %parallel_loop3A_320, %parallel_loop3A_323 : i32
        %parallel_loop3A_325 = arith.constant 0 : i32
        %parallel_loop3A_326 = arith.cmpi slt, %parallel_loop3A_319, %parallel_loop3A_325 : i32
        %parallel_loop3A_327 = arith.xori %parallel_loop3A_324, %parallel_loop3A_326 : i1
        %parallel_loop3A_328 = arith.andi %parallel_loop3A_327, %parallel_loop3A_322 : i1
        %parallel_loop3A_329 = arith.addi %parallel_loop3A_320, %parallel_loop3A_319 : i32
        %parallel_loop3A_330 = arith.select %parallel_loop3A_328, %parallel_loop3A_329, %parallel_loop3A_320 : i32
        %parallel_loop3A_331 = arith.constant 16 : i32
        %parallel_loop3A_332 = arith.muli %parallel_loop3A_330, %parallel_loop3A_331 : i32
        %parallel_loop3A_333 = arith.index_cast %parallel_loop3A_314 : i32 to index
        %parallel_loop3A_334 = arith.index_cast %parallel_loop3A_332 : i32 to index
        %parallel_loop3A_335 = tpu.vector_load %arg6[%parallel_loop3A_333, %parallel_loop3A_334] {strides = array<i32>} : memref<4x1024xf32, #tpu.memory_space<vmem>>, vector<1x16xf32>,
        %parallel_loop3A_336 = vector.shape_cast %parallel_loop3A_335 : vector<1x16xf32> to vector<16xf32>
        %parallel_loop3A_337 = arith.constant 0 : i32
        %parallel_loop3A_338 = arith.index_cast %parallel_loop3A_337 : i32 to index
        %parallel_loop3A_339 = arith.index_cast %parallel_loop3A_314 : i32 to index
        %parallel_loop3A_340 = arith.index_cast %parallel_loop3A_332 : i32 to index
        %parallel_loop3A_341 = tpu.vector_load %arg8[%parallel_loop3A_338, %parallel_loop3A_339, %parallel_loop3A_340] {strides = array<i32>} : memref<4x4x1024xf32, #tpu.memory_space<vmem>>, vector<1x1x16xf32>,
        %parallel_loop3A_342 = vector.shape_cast %parallel_loop3A_341 : vector<1x1x16xf32> to vector<16xf32>
        %parallel_loop3A_343 = arith.addf %parallel_loop3A_342, %parallel_loop3A_336 : vector<16xf32>
        %parallel_loop3A_344 = arith.constant 0 : i32
        %parallel_loop3A_345 = arith.index_cast %parallel_loop3A_344 : i32 to index
        %parallel_loop3A_346 = arith.index_cast %parallel_loop3A_314 : i32 to index
        %parallel_loop3A_347 = arith.index_cast %parallel_loop3A_332 : i32 to index
        %parallel_loop3A_348 = tpu.vector_load %arg10[%parallel_loop3A_345, %parallel_loop3A_346, %parallel_loop3A_347] {strides = array<i32>} : memref<4x4x1024xf32, #tpu.memory_space<vmem>>, vector<1x1x16xf32>,
        %parallel_loop3A_349 = vector.shape_cast %parallel_loop3A_348 : vector<1x1x16xf32> to vector<16xf32>
        %parallel_loop3A_350 = vector.shape_cast %parallel_loop3A_343 : vector<16xf32> to vector<1x1x16xf32>
        tpu.vector_store %arg10[%parallel_loop3A_345, %parallel_loop3A_346, %parallel_loop3A_347], %parallel_loop3A_350 {strides = array<i32>} : memref<4x4x1024xf32, #tpu.memory_space<vmem>>, vector<1x1x16xf32>,
        %parallel_loop3A_351 = arith.constant 1 : i32
        %parallel_loop3A_352 = arith.index_cast %parallel_loop3A_351 : i32 to index
        %parallel_loop3A_353 = arith.index_cast %parallel_loop3A_314 : i32 to index
        %parallel_loop3A_354 = arith.index_cast %parallel_loop3A_332 : i32 to index
        %parallel_loop3A_355 = tpu.vector_load %arg8[%parallel_loop3A_352, %parallel_loop3A_353, %parallel_loop3A_354] {strides = array<i32>} : memref<4x4x1024xf32, #tpu.memory_space<vmem>>, vector<1x1x16xf32>,
        %parallel_loop3A_356 = vector.shape_cast %parallel_loop3A_355 : vector<1x1x16xf32> to vector<16xf32>
        %parallel_loop3A_357 = arith.addf %parallel_loop3A_356, %parallel_loop3A_336 : vector<16xf32>
        %parallel_loop3A_358 = arith.constant 1 : i32
        %parallel_loop3A_359 = arith.index_cast %parallel_loop3A_358 : i32 to index
        %parallel_loop3A_360 = arith.index_cast %parallel_loop3A_314 : i32 to index
        %parallel_loop3A_361 = arith.index_cast %parallel_loop3A_332 : i32 to index
        %parallel_loop3A_362 = tpu.vector_load %arg10[%parallel_loop3A_359, %parallel_loop3A_360, %parallel_loop3A_361] {strides = array<i32>} : memref<4x4x1024xf32, #tpu.memory_space<vmem>>, vector<1x1x16xf32>,
        %parallel_loop3A_363 = vector.shape_cast %parallel_loop3A_362 : vector<1x1x16xf32> to vector<16xf32>
        %parallel_loop3A_364 = vector.shape_cast %parallel_loop3A_357 : vector<16xf32> to vector<1x1x16xf32>
        tpu.vector_store %arg10[%parallel_loop3A_359, %parallel_loop3A_360, %parallel_loop3A_361], %parallel_loop3A_364 {strides = array<i32>} : memref<4x4x1024xf32, #tpu.memory_space<vmem>>, vector<1x1x16xf32>,
        %parallel_loop3A_365 = arith.constant 2 : i32
        %parallel_loop3A_366 = arith.index_cast %parallel_loop3A_365 : i32 to index
        %parallel_loop3A_367 = arith.index_cast %parallel_loop3A_314 : i32 to index
        %parallel_loop3A_368 = arith.index_cast %parallel_loop3A_332 : i32 to index
        %parallel_loop3A_369 = tpu.vector_load %arg8[%parallel_loop3A_366, %parallel_loop3A_367, %parallel_loop3A_368] {strides = array<i32>} : memref<4x4x1024xf32, #tpu.memory_space<vmem>>, vector<1x1x16xf32>,
        %parallel_loop3A_370 = vector.shape_cast %parallel_loop3A_369 : vector<1x1x16xf32> to vector<16xf32>
        %parallel_loop3A_371 = arith.addf %parallel_loop3A_370, %parallel_loop3A_336 : vector<16xf32>
        %parallel_loop3A_372 = arith.constant 2 : i32
        %parallel_loop3A_373 = arith.index_cast %parallel_loop3A_372 : i32 to index
        %parallel_loop3A_374 = arith.index_cast %parallel_loop3A_314 : i32 to index
        %parallel_loop3A_375 = arith.index_cast %parallel_loop3A_332 : i32 to index
        %parallel_loop3A_376 = tpu.vector_load %arg10[%parallel_loop3A_373, %parallel_loop3A_374, %parallel_loop3A_375] {strides = array<i32>} : memref<4x4x1024xf32, #tpu.memory_space<vmem>>, vector<1x1x16xf32>,
        %parallel_loop3A_377 = vector.shape_cast %parallel_loop3A_376 : vector<1x1x16xf32> to vector<16xf32>
        %parallel_loop3A_378 = vector.shape_cast %parallel_loop3A_371 : vector<16xf32> to vector<1x1x16xf32>
        tpu.vector_store %arg10[%parallel_loop3A_373, %parallel_loop3A_374, %parallel_loop3A_375], %parallel_loop3A_378 {strides = array<i32>} : memref<4x4x1024xf32, #tpu.memory_space<vmem>>, vector<1x1x16xf32>,
        %parallel_loop3A_379 = arith.constant 3 : i32
        %parallel_loop3A_380 = arith.index_cast %parallel_loop3A_379 : i32 to index
        %parallel_loop3A_381 = arith.index_cast %parallel_loop3A_314 : i32 to index
        %parallel_loop3A_382 = arith.index_cast %parallel_loop3A_332 : i32 to index
        %parallel_loop3A_383 = tpu.vector_load %arg8[%parallel_loop3A_380, %parallel_loop3A_381, %parallel_loop3A_382] {strides = array<i32>} : memref<4x4x1024xf32, #tpu.memory_space<vmem>>, vector<1x1x16xf32>,
        %parallel_loop3A_384 = vector.shape_cast %parallel_loop3A_383 : vector<1x1x16xf32> to vector<16xf32>
        %parallel_loop3A_385 = arith.addf %parallel_loop3A_384, %parallel_loop3A_336 : vector<16xf32>
        %parallel_loop3A_386 = arith.constant 3 : i32
        %parallel_loop3A_387 = arith.index_cast %parallel_loop3A_386 : i32 to index
        %parallel_loop3A_388 = arith.index_cast %parallel_loop3A_314 : i32 to index
        %parallel_loop3A_389 = arith.index_cast %parallel_loop3A_332 : i32 to index
        %parallel_loop3A_390 = tpu.vector_load %arg10[%parallel_loop3A_387, %parallel_loop3A_388, %parallel_loop3A_389] {strides = array<i32>} : memref<4x4x1024xf32, #tpu.memory_space<vmem>>, vector<1x1x16xf32>,
        %parallel_loop3A_391 = vector.shape_cast %parallel_loop3A_390 : vector<1x1x16xf32> to vector<16xf32>
        %parallel_loop3A_392 = vector.shape_cast %parallel_loop3A_385 : vector<16xf32> to vector<1x1x16xf32>
        tpu.vector_store %arg10[%parallel_loop3A_387, %parallel_loop3A_388, %parallel_loop3A_389], %parallel_loop3A_392 {strides = array<i32>} : memref<4x4x1024xf32, #tpu.memory_space<vmem>>, vector<1x1x16xf32>,
      } {sc.loop_unroll_factor = 8 : i64, sc.parallel_access}
      %mul3A_266 = arith.constant 4 : i32
      %mul3A_267 = arith.muli %add3A_240, %mul3A_266 : i32
      %add3A_268 = arith.addi %mul3A_2, %mul3A_267 : i32
      %dma_start3A_269 = arith.constant 0 : i32
      %dma_start3A_270 = arith.constant 0 : i32
      %dma_start3A_271 = tpu.memref_slice %arg4[%dma_start3A_269, %add3A_268, %dma_start3A_270] : memref<4x8192x1024xf32, #tpu.memory_space<hbm>> -> memref<4x4x1024xf32, #tpu.memory_space<hbm>>
      %dma_start3A_272 = arith.constant 0 : i32
      %dma_start3A_273 = arith.constant 0 : i32
      %dma_start3A_274 = tpu.memref_slice %arg4[%dma_start3A_272, %add3A_268, %dma_start3A_273] : memref<4x8192x1024xf32, #tpu.memory_space<hbm>> -> memref<4x4x1024xf32, #tpu.memory_space<hbm>>
      tpu.enqueue_dma source(%arg10 : memref<4x4x1024xf32, #tpu.memory_space<vmem>>) target(%dma_start3A_274 : memref<4x4x1024xf32, #tpu.memory_space<hbm>>) target_semaphore(%arg16 : memref<!tpu.dma_semaphore, #tpu.memory_space<semaphore_mem>>)
      %add3A_275 = arith.constant 2 : i32
      %add3A_276 = arith.addi %add3A_240, %add3A_275 : i32
      %mul3A_277 = arith.constant 4 : i32
      %mul3A_278 = arith.muli %add3A_276, %mul3A_277 : i32
      %add3A_279 = arith.addi %mul3A_2, %mul3A_278 : i32
      %dma_start3A_280 = arith.constant 0 : i32
      %dma_start3A_281 = tpu.memref_slice %arg3[%add3A_279, %dma_start3A_280] : memref<8192x1024xf32, #tpu.memory_space<hbm>> -> memref<4x1024xf32, #tpu.memory_space<hbm>>
      %dma_start3A_282 = arith.constant 0 : i32
      %dma_start3A_283 = tpu.memref_slice %arg3[%add3A_279, %dma_start3A_282] : memref<8192x1024xf32, #tpu.memory_space<hbm>> -> memref<4x1024xf32, #tpu.memory_space<hbm>>
      tpu.enqueue_dma source(%dma_start3A_283 : memref<4x1024xf32, #tpu.memory_space<hbm>>) target(%arg6 : memref<4x1024xf32, #tpu.memory_space<vmem>>) target_semaphore(%arg12 : memref<!tpu.dma_semaphore, #tpu.memory_space<semaphore_mem>>)
      %dma_start3A_284 = arith.constant 0 : i32
      %dma_start3A_285 = arith.constant 0 : i32
      %dma_start3A_286 = tpu.memref_slice %arg2[%dma_start3A_284, %add3A_279, %dma_start3A_285] : memref<4x8192x1024xf32, #tpu.memory_space<hbm>> -> memref<4x4x1024xf32, #tpu.memory_space<hbm>>
      %dma_start3A_287 = arith.constant 0 : i32
      %dma_start3A_288 = arith.constant 0 : i32
      %dma_start3A_289 = tpu.memref_slice %arg2[%dma_start3A_287, %add3A_279, %dma_start3A_288] : memref<4x8192x1024xf32, #tpu.memory_space<hbm>> -> memref<4x4x1024xf32, #tpu.memory_space<hbm>>
      tpu.enqueue_dma source(%dma_start3A_289 : memref<4x4x1024xf32, #tpu.memory_space<hbm>>) target(%arg8 : memref<4x4x1024xf32, #tpu.memory_space<vmem>>) target_semaphore(%arg14 : memref<!tpu.dma_semaphore, #tpu.memory_space<semaphore_mem>>)
    }
    %scan3A_102 = arith.constant 30 : i32
    %dma_wait3A_103 = arith.constant 0 : i32
    %dma_wait3A_104 = arith.constant 0 : i32
    %dma_wait3A_105 = tpu.memref_slice %arg3[%dma_wait3A_103, %dma_wait3A_104] : memref<8192x1024xf32, #tpu.memory_space<hbm>> -> memref<4x1024xf32, #tpu.memory_space<hbm>>
    %dma_wait3A_106 = arith.constant 0 : i32
    %dma_wait3A_107 = arith.constant 0 : i32
    %dma_wait3A_108 = tpu.memref_slice %arg3[%dma_wait3A_106, %dma_wait3A_107] : memref<8192x1024xf32, #tpu.memory_space<hbm>> -> memref<4x1024xf32, #tpu.memory_space<hbm>>
    tpu.wait_dma2 semaphore(%arg11 : memref<!tpu.dma_semaphore, #tpu.memory_space<semaphore_mem>>) src(%dma_wait3A_108 : memref<4x1024xf32, #tpu.memory_space<hbm>>) dst(%arg5 : memref<4x1024xf32, #tpu.memory_space<vmem>>)
    %dma_wait3A_109 = arith.constant 0 : i32
    %dma_wait3A_110 = arith.constant 0 : i32
    %dma_wait3A_111 = arith.constant 0 : i32
    %dma_wait3A_112 = tpu.memref_slice %arg2[%dma_wait3A_109, %dma_wait3A_110, %dma_wait3A_111] : memref<4x8192x1024xf32, #tpu.memory_space<hbm>> -> memref<4x4x1024xf32, #tpu.memory_space<hbm>>
    %dma_wait3A_113 = arith.constant 0 : i32
    %dma_wait3A_114 = arith.constant 0 : i32
    %dma_wait3A_115 = arith.constant 0 : i32
    %dma_wait3A_116 = tpu.memref_slice %arg2[%dma_wait3A_113, %dma_wait3A_114, %dma_wait3A_115] : memref<4x8192x1024xf32, #tpu.memory_space<hbm>> -> memref<4x4x1024xf32, #tpu.memory_space<hbm>>
    tpu.wait_dma2 semaphore(%arg13 : memref<!tpu.dma_semaphore, #tpu.memory_space<semaphore_mem>>) src(%dma_wait3A_116 : memref<4x4x1024xf32, #tpu.memory_space<hbm>>) dst(%arg7 : memref<4x4x1024xf32, #tpu.memory_space<vmem>>)
    %dma_wait3A_117 = arith.constant 0 : i32
    %dma_wait3A_118 = arith.constant 0 : i32
    %dma_wait3A_119 = arith.constant 0 : i32
    %dma_wait3A_120 = tpu.memref_slice %arg4[%dma_wait3A_117, %dma_wait3A_118, %dma_wait3A_119] : memref<4x8192x1024xf32, #tpu.memory_space<hbm>> -> memref<4x4x1024xf32, #tpu.memory_space<hbm>>
    %dma_wait3A_121 = arith.constant 0 : i32
    %dma_wait3A_122 = arith.constant 0 : i32
    %dma_wait3A_123 = arith.constant 0 : i32
    %dma_wait3A_124 = tpu.memref_slice %arg4[%dma_wait3A_121, %dma_wait3A_122, %dma_wait3A_123] : memref<4x8192x1024xf32, #tpu.memory_space<hbm>> -> memref<4x4x1024xf32, #tpu.memory_space<hbm>>
    tpu.wait_dma2 semaphore(%arg15 : memref<!tpu.dma_semaphore, #tpu.memory_space<semaphore_mem>>) src(%arg9 : memref<4x4x1024xf32, #tpu.memory_space<vmem>>) dst(%dma_wait3A_124 : memref<4x4x1024xf32, #tpu.memory_space<hbm>>)
    %parallel_loop3A_125 = arith.constant 0 : i32
    %parallel_loop3A_126 = arith.constant 256 : i32
    %parallel_loop3A_127 = arith.constant 1 : i32
    scf.for %parallel_loop3A_185 = %parallel_loop3A_125 to %parallel_loop3A_126 step %parallel_loop3A_127  : i32 {
      %parallel_loop3A_186 = arith.constant 64 : i32
      %parallel_loop3A_187 = arith.divsi %parallel_loop3A_185, %parallel_loop3A_186 : i32
      %parallel_loop3A_188 = arith.constant 0 : i32
      %parallel_loop3A_189 = arith.cmpi sgt, %parallel_loop3A_185, %parallel_loop3A_188 : i32
      %parallel_loop3A_190 = arith.extui %parallel_loop3A_189 : i1 to i32
      %parallel_loop3A_191 = arith.constant 0 : i32
      %parallel_loop3A_192 = arith.cmpi slt, %parallel_loop3A_185, %parallel_loop3A_191 : i32
      %parallel_loop3A_193 = arith.extui %parallel_loop3A_192 : i1 to i32
      %parallel_loop3A_194 = arith.subi %parallel_loop3A_190, %parallel_loop3A_193 : i32
      %parallel_loop3A_195 = arith.constant 0 : i32
      %parallel_loop3A_196 = arith.cmpi sgt, %parallel_loop3A_186, %parallel_loop3A_195 : i32
      %parallel_loop3A_197 = arith.extui %parallel_loop3A_196 : i1 to i32
      %parallel_loop3A_198 = arith.constant 0 : i32
      %parallel_loop3A_199 = arith.cmpi slt, %parallel_loop3A_186, %parallel_loop3A_198 : i32
      %parallel_loop3A_200 = arith.extui %parallel_loop3A_199 : i1 to i32
      %parallel_loop3A_201 = arith.subi %parallel_loop3A_197, %parallel_loop3A_200 : i32
      %parallel_loop3A_202 = arith.cmpi ne, %parallel_loop3A_194, %parallel_loop3A_201 : i32
      %parallel_loop3A_203 = arith.remsi %parallel_loop3A_185, %parallel_loop3A_186 : i32
      %parallel_loop3A_204 = arith.constant 0 : i32
      %parallel_loop3A_205 = arith.cmpi ne, %parallel_loop3A_203, %parallel_loop3A_204 : i32
      %parallel_loop3A_206 = arith.andi %parallel_loop3A_202, %parallel_loop3A_205 : i1
      %parallel_loop3A_207 = arith.constant 1 : i32
      %parallel_loop3A_208 = arith.subi %parallel_loop3A_187, %parallel_loop3A_207 : i32
      %parallel_loop3A_209 = arith.select %parallel_loop3A_206, %parallel_loop3A_208, %parallel_loop3A_187 : i32
      %parallel_loop3A_210 = arith.constant 64 : i32
      %parallel_loop3A_211 = arith.constant 0 : i32
      %parallel_loop3A_212 = arith.cmpi eq, %parallel_loop3A_210, %parallel_loop3A_211 : i32
      %parallel_loop3A_213 = arith.constant 1 : i32
      %parallel_loop3A_214 = arith.select %parallel_loop3A_212, %parallel_loop3A_213, %parallel_loop3A_210 : i32
      %parallel_loop3A_215 = arith.remsi %parallel_loop3A_185, %parallel_loop3A_214 : i32
      %parallel_loop3A_216 = arith.constant 0 : i32
      %parallel_loop3A_217 = arith.cmpi ne, %parallel_loop3A_215, %parallel_loop3A_216 : i32
      %parallel_loop3A_218 = arith.constant 0 : i32
      %parallel_loop3A_219 = arith.cmpi slt, %parallel_loop3A_215, %parallel_loop3A_218 : i32
      %parallel_loop3A_220 = arith.constant 0 : i32
      %parallel_loop3A_221 = arith.cmpi slt, %parallel_loop3A_214, %parallel_loop3A_220 : i32
      %parallel_loop3A_222 = arith.xori %parallel_loop3A_219, %parallel_loop3A_221 : i1
      %parallel_loop3A_223 = arith.andi %parallel_loop3A_222, %parallel_loop3A_217 : i1
      %parallel_loop3A_224 = arith.addi %parallel_loop3A_215, %parallel_loop3A_214 : i32
      %parallel_loop3A_225 = arith.select %parallel_loop3A_223, %parallel_loop3A_224, %parallel_loop3A_215 : i32
      %parallel_loop3A_226 = arith.constant 16 : i32
      %parallel_loop3A_227 = arith.muli %parallel_loop3A_225, %parallel_loop3A_226 : i32
      %parallel_loop3A_228 = arith.index_cast %parallel_loop3A_209 : i32 to index
      %parallel_loop3A_229 = arith.index_cast %parallel_loop3A_227 : i32 to index
      %parallel_loop3A_230 = tpu.vector_load %arg5[%parallel_loop3A_228, %parallel_loop3A_229] {strides = array<i32>} : memref<4x1024xf32, #tpu.memory_space<vmem>>, vector<1x16xf32>,
      %parallel_loop3A_231 = vector.shape_cast %parallel_loop3A_230 : vector<1x16xf32> to vector<16xf32>
      %parallel_loop3A_232 = arith.constant 0 : i32
      %parallel_loop3A_233 = arith.index_cast %parallel_loop3A_232 : i32 to index
      %parallel_loop3A_234 = arith.index_cast %parallel_loop3A_209 : i32 to index
      %parallel_loop3A_235 = arith.index_cast %parallel_loop3A_227 : i32 to index
      %parallel_loop3A_236 = tpu.vector_load %arg7[%parallel_loop3A_233, %parallel_loop3A_234, %parallel_loop3A_235] {strides = array<i32>} : memref<4x4x1024xf32, #tpu.memory_space<vmem>>, vector<1x1x16xf32>,
      %parallel_loop3A_237 = vector.shape_cast %parallel_loop3A_236 : vector<1x1x16xf32> to vector<16xf32>
      %parallel_loop3A_238 = arith.addf %parallel_loop3A_237, %parallel_loop3A_231 : vector<16xf32>
      %parallel_loop3A_239 = arith.constant 0 : i32
      %parallel_loop3A_240 = arith.index_cast %parallel_loop3A_239 : i32 to index
      %parallel_loop3A_241 = arith.index_cast %parallel_loop3A_209 : i32 to index
      %parallel_loop3A_242 = arith.index_cast %parallel_loop3A_227 : i32 to index
      %parallel_loop3A_243 = tpu.vector_load %arg9[%parallel_loop3A_240, %parallel_loop3A_241, %parallel_loop3A_242] {strides = array<i32>} : memref<4x4x1024xf32, #tpu.memory_space<vmem>>, vector<1x1x16xf32>,
      %parallel_loop3A_244 = vector.shape_cast %parallel_loop3A_243 : vector<1x1x16xf32> to vector<16xf32>
      %parallel_loop3A_245 = vector.shape_cast %parallel_loop3A_238 : vector<16xf32> to vector<1x1x16xf32>
      tpu.vector_store %arg9[%parallel_loop3A_240, %parallel_loop3A_241, %parallel_loop3A_242], %parallel_loop3A_245 {strides = array<i32>} : memref<4x4x1024xf32, #tpu.memory_space<vmem>>, vector<1x1x16xf32>,
      %parallel_loop3A_246 = arith.constant 1 : i32
      %parallel_loop3A_247 = arith.index_cast %parallel_loop3A_246 : i32 to index
      %parallel_loop3A_248 = arith.index_cast %parallel_loop3A_209 : i32 to index
      %parallel_loop3A_249 = arith.index_cast %parallel_loop3A_227 : i32 to index
      %parallel_loop3A_250 = tpu.vector_load %arg7[%parallel_loop3A_247, %parallel_loop3A_248, %parallel_loop3A_249] {strides = array<i32>} : memref<4x4x1024xf32, #tpu.memory_space<vmem>>, vector<1x1x16xf32>,
      %parallel_loop3A_251 = vector.shape_cast %parallel_loop3A_250 : vector<1x1x16xf32> to vector<16xf32>
      %parallel_loop3A_252 = arith.addf %parallel_loop3A_251, %parallel_loop3A_231 : vector<16xf32>
      %parallel_loop3A_253 = arith.constant 1 : i32
      %parallel_loop3A_254 = arith.index_cast %parallel_loop3A_253 : i32 to index
      %parallel_loop3A_255 = arith.index_cast %parallel_loop3A_209 : i32 to index
      %parallel_loop3A_256 = arith.index_cast %parallel_loop3A_227 : i32 to index
      %parallel_loop3A_257 = tpu.vector_load %arg9[%parallel_loop3A_254, %parallel_loop3A_255, %parallel_loop3A_256] {strides = array<i32>} : memref<4x4x1024xf32, #tpu.memory_space<vmem>>, vector<1x1x16xf32>,
      %parallel_loop3A_258 = vector.shape_cast %parallel_loop3A_257 : vector<1x1x16xf32> to vector<16xf32>
      %parallel_loop3A_259 = vector.shape_cast %parallel_loop3A_252 : vector<16xf32> to vector<1x1x16xf32>
      tpu.vector_store %arg9[%parallel_loop3A_254, %parallel_loop3A_255, %parallel_loop3A_256], %parallel_loop3A_259 {strides = array<i32>} : memref<4x4x1024xf32, #tpu.memory_space<vmem>>, vector<1x1x16xf32>,
      %parallel_loop3A_260 = arith.constant 2 : i32
      %parallel_loop3A_261 = arith.index_cast %parallel_loop3A_260 : i32 to index
      %parallel_loop3A_262 = arith.index_cast %parallel_loop3A_209 : i32 to index
      %parallel_loop3A_263 = arith.index_cast %parallel_loop3A_227 : i32 to index
      %parallel_loop3A_264 = tpu.vector_load %arg7[%parallel_loop3A_261, %parallel_loop3A_262, %parallel_loop3A_263] {strides = array<i32>} : memref<4x4x1024xf32, #tpu.memory_space<vmem>>, vector<1x1x16xf32>,
      %parallel_loop3A_265 = vector.shape_cast %parallel_loop3A_264 : vector<1x1x16xf32> to vector<16xf32>
      %parallel_loop3A_266 = arith.addf %parallel_loop3A_265, %parallel_loop3A_231 : vector<16xf32>
      %parallel_loop3A_267 = arith.constant 2 : i32
      %parallel_loop3A_268 = arith.index_cast %parallel_loop3A_267 : i32 to index
      %parallel_loop3A_269 = arith.index_cast %parallel_loop3A_209 : i32 to index
      %parallel_loop3A_270 = arith.index_cast %parallel_loop3A_227 : i32 to index
      %parallel_loop3A_271 = tpu.vector_load %arg9[%parallel_loop3A_268, %parallel_loop3A_269, %parallel_loop3A_270] {strides = array<i32>} : memref<4x4x1024xf32, #tpu.memory_space<vmem>>, vector<1x1x16xf32>,
      %parallel_loop3A_272 = vector.shape_cast %parallel_loop3A_271 : vector<1x1x16xf32> to vector<16xf32>
      %parallel_loop3A_273 = vector.shape_cast %parallel_loop3A_266 : vector<16xf32> to vector<1x1x16xf32>
      tpu.vector_store %arg9[%parallel_loop3A_268, %parallel_loop3A_269, %parallel_loop3A_270], %parallel_loop3A_273 {strides = array<i32>} : memref<4x4x1024xf32, #tpu.memory_space<vmem>>, vector<1x1x16xf32>,
      %parallel_loop3A_274 = arith.constant 3 : i32
      %parallel_loop3A_275 = arith.index_cast %parallel_loop3A_274 : i32 to index
      %parallel_loop3A_276 = arith.index_cast %parallel_loop3A_209 : i32 to index
      %parallel_loop3A_277 = arith.index_cast %parallel_loop3A_227 : i32 to index
      %parallel_loop3A_278 = tpu.vector_load %arg7[%parallel_loop3A_275, %parallel_loop3A_276, %parallel_loop3A_277] {strides = array<i32>} : memref<4x4x1024xf32, #tpu.memory_space<vmem>>, vector<1x1x16xf32>,
      %parallel_loop3A_279 = vector.shape_cast %parallel_loop3A_278 : vector<1x1x16xf32> to vector<16xf32>
      %parallel_loop3A_280 = arith.addf %parallel_loop3A_279, %parallel_loop3A_231 : vector<16xf32>
      %parallel_loop3A_281 = arith.constant 3 : i32
      %parallel_loop3A_282 = arith.index_cast %parallel_loop3A_281 : i32 to index
      %parallel_loop3A_283 = arith.index_cast %parallel_loop3A_209 : i32 to index
      %parallel_loop3A_284 = arith.index_cast %parallel_loop3A_227 : i32 to index
      %parallel_loop3A_285 = tpu.vector_load %arg9[%parallel_loop3A_282, %parallel_loop3A_283, %parallel_loop3A_284] {strides = array<i32>} : memref<4x4x1024xf32, #tpu.memory_space<vmem>>, vector<1x1x16xf32>,
      %parallel_loop3A_286 = vector.shape_cast %parallel_loop3A_285 : vector<1x1x16xf32> to vector<16xf32>
      %parallel_loop3A_287 = vector.shape_cast %parallel_loop3A_280 : vector<16xf32> to vector<1x1x16xf32>
      tpu.vector_store %arg9[%parallel_loop3A_282, %parallel_loop3A_283, %parallel_loop3A_284], %parallel_loop3A_287 {strides = array<i32>} : memref<4x4x1024xf32, #tpu.memory_space<vmem>>, vector<1x1x16xf32>,
    } {sc.loop_unroll_factor = 8 : i64, sc.parallel_access}
    %add3A_128 = arith.constant 248 : i32
    %add3A_129 = arith.addi %mul3A_2, %add3A_128 : i32
    %dma_start3A_130 = arith.constant 0 : i32
    %dma_start3A_131 = arith.constant 0 : i32
    %dma_start3A_132 = tpu.memref_slice %arg4[%dma_start3A_130, %add3A_129, %dma_start3A_131] : memref<4x8192x1024xf32, #tpu.memory_space<hbm>> -> memref<4x4x1024xf32, #tpu.memory_space<hbm>>
    %dma_start3A_133 = arith.constant 0 : i32
    %dma_start3A_134 = arith.constant 0 : i32
    %dma_start3A_135 = tpu.memref_slice %arg4[%dma_start3A_133, %add3A_129, %dma_start3A_134] : memref<4x8192x1024xf32, #tpu.memory_space<hbm>> -> memref<4x4x1024xf32, #tpu.memory_space<hbm>>
    tpu.enqueue_dma source(%arg9 : memref<4x4x1024xf32, #tpu.memory_space<vmem>>) target(%dma_start3A_135 : memref<4x4x1024xf32, #tpu.memory_space<hbm>>) target_semaphore(%arg15 : memref<!tpu.dma_semaphore, #tpu.memory_space<semaphore_mem>>)
    %dma_wait3A_136 = arith.constant 0 : i32
    %dma_wait3A_137 = arith.constant 0 : i32
    %dma_wait3A_138 = tpu.memref_slice %arg3[%dma_wait3A_136, %dma_wait3A_137] : memref<8192x1024xf32, #tpu.memory_space<hbm>> -> memref<4x1024xf32, #tpu.memory_space<hbm>>
    %dma_wait3A_139 = arith.constant 0 : i32
    %dma_wait3A_140 = arith.constant 0 : i32
    %dma_wait3A_141 = tpu.memref_slice %arg3[%dma_wait3A_139, %dma_wait3A_140] : memref<8192x1024xf32, #tpu.memory_space<hbm>> -> memref<4x1024xf32, #tpu.memory_space<hbm>>
    tpu.wait_dma2 semaphore(%arg12 : memref<!tpu.dma_semaphore, #tpu.memory_space<semaphore_mem>>) src(%dma_wait3A_141 : memref<4x1024xf32, #tpu.memory_space<hbm>>) dst(%arg6 : memref<4x1024xf32, #tpu.memory_space<vmem>>)
    %dma_wait3A_142 = arith.constant 0 : i32
    %dma_wait3A_143 = arith.constant 0 : i32
    %dma_wait3A_144 = arith.constant 0 : i32
    %dma_wait3A_145 = tpu.memref_slice %arg2[%dma_wait3A_142, %dma_wait3A_143, %dma_wait3A_144] : memref<4x8192x1024xf32, #tpu.memory_space<hbm>> -> memref<4x4x1024xf32, #tpu.memory_space<hbm>>
    %dma_wait3A_146 = arith.constant 0 : i32
    %dma_wait3A_147 = arith.constant 0 : i32
    %dma_wait3A_148 = arith.constant 0 : i32
    %dma_wait3A_149 = tpu.memref_slice %arg2[%dma_wait3A_146, %dma_wait3A_147, %dma_wait3A_148] : memref<4x8192x1024xf32, #tpu.memory_space<hbm>> -> memref<4x4x1024xf32, #tpu.memory_space<hbm>>
    tpu.wait_dma2 semaphore(%arg14 : memref<!tpu.dma_semaphore, #tpu.memory_space<semaphore_mem>>) src(%dma_wait3A_149 : memref<4x4x1024xf32, #tpu.memory_space<hbm>>) dst(%arg8 : memref<4x4x1024xf32, #tpu.memory_space<vmem>>)
    %dma_wait3A_150 = arith.constant 0 : i32
    %dma_wait3A_151 = arith.constant 0 : i32
    %dma_wait3A_152 = arith.constant 0 : i32
    %dma_wait3A_153 = tpu.memref_slice %arg4[%dma_wait3A_150, %dma_wait3A_151, %dma_wait3A_152] : memref<4x8192x1024xf32, #tpu.memory_space<hbm>> -> memref<4x4x1024xf32, #tpu.memory_space<hbm>>
    %dma_wait3A_154 = arith.constant 0 : i32
    %dma_wait3A_155 = arith.constant 0 : i32
    %dma_wait3A_156 = arith.constant 0 : i32
    %dma_wait3A_157 = tpu.memref_slice %arg4[%dma_wait3A_154, %dma_wait3A_155, %dma_wait3A_156] : memref<4x8192x1024xf32, #tpu.memory_space<hbm>> -> memref<4x4x1024xf32, #tpu.memory_space<hbm>>
    tpu.wait_dma2 semaphore(%arg16 : memref<!tpu.dma_semaphore, #tpu.memory_space<semaphore_mem>>) src(%arg10 : memref<4x4x1024xf32, #tpu.memory_space<vmem>>) dst(%dma_wait3A_157 : memref<4x4x1024xf32, #tpu.memory_space<hbm>>)
    %parallel_loop3A_158 = arith.constant 0 : i32
    %parallel_loop3A_159 = arith.constant 256 : i32
    %parallel_loop3A_160 = arith.constant 1 : i32
    scf.for %parallel_loop3A_185 = %parallel_loop3A_158 to %parallel_loop3A_159 step %parallel_loop3A_160  : i32 {
      %parallel_loop3A_186 = arith.constant 64 : i32
      %parallel_loop3A_187 = arith.divsi %parallel_loop3A_185, %parallel_loop3A_186 : i32
      %parallel_loop3A_188 = arith.constant 0 : i32
      %parallel_loop3A_189 = arith.cmpi sgt, %parallel_loop3A_185, %parallel_loop3A_188 : i32
      %parallel_loop3A_190 = arith.extui %parallel_loop3A_189 : i1 to i32
      %parallel_loop3A_191 = arith.constant 0 : i32
      %parallel_loop3A_192 = arith.cmpi slt, %parallel_loop3A_185, %parallel_loop3A_191 : i32
      %parallel_loop3A_193 = arith.extui %parallel_loop3A_192 : i1 to i32
      %parallel_loop3A_194 = arith.subi %parallel_loop3A_190, %parallel_loop3A_193 : i32
      %parallel_loop3A_195 = arith.constant 0 : i32
      %parallel_loop3A_196 = arith.cmpi sgt, %parallel_loop3A_186, %parallel_loop3A_195 : i32
      %parallel_loop3A_197 = arith.extui %parallel_loop3A_196 : i1 to i32
      %parallel_loop3A_198 = arith.constant 0 : i32
      %parallel_loop3A_199 = arith.cmpi slt, %parallel_loop3A_186, %parallel_loop3A_198 : i32
      %parallel_loop3A_200 = arith.extui %parallel_loop3A_199 : i1 to i32
      %parallel_loop3A_201 = arith.subi %parallel_loop3A_197, %parallel_loop3A_200 : i32
      %parallel_loop3A_202 = arith.cmpi ne, %parallel_loop3A_194, %parallel_loop3A_201 : i32
      %parallel_loop3A_203 = arith.remsi %parallel_loop3A_185, %parallel_loop3A_186 : i32
      %parallel_loop3A_204 = arith.constant 0 : i32
      %parallel_loop3A_205 = arith.cmpi ne, %parallel_loop3A_203, %parallel_loop3A_204 : i32
      %parallel_loop3A_206 = arith.andi %parallel_loop3A_202, %parallel_loop3A_205 : i1
      %parallel_loop3A_207 = arith.constant 1 : i32
      %parallel_loop3A_208 = arith.subi %parallel_loop3A_187, %parallel_loop3A_207 : i32
      %parallel_loop3A_209 = arith.select %parallel_loop3A_206, %parallel_loop3A_208, %parallel_loop3A_187 : i32
      %parallel_loop3A_210 = arith.constant 64 : i32
      %parallel_loop3A_211 = arith.constant 0 : i32
      %parallel_loop3A_212 = arith.cmpi eq, %parallel_loop3A_210, %parallel_loop3A_211 : i32
      %parallel_loop3A_213 = arith.constant 1 : i32
      %parallel_loop3A_214 = arith.select %parallel_loop3A_212, %parallel_loop3A_213, %parallel_loop3A_210 : i32
      %parallel_loop3A_215 = arith.remsi %parallel_loop3A_185, %parallel_loop3A_214 : i32
      %parallel_loop3A_216 = arith.constant 0 : i32
      %parallel_loop3A_217 = arith.cmpi ne, %parallel_loop3A_215, %parallel_loop3A_216 : i32
      %parallel_loop3A_218 = arith.constant 0 : i32
      %parallel_loop3A_219 = arith.cmpi slt, %parallel_loop3A_215, %parallel_loop3A_218 : i32
      %parallel_loop3A_220 = arith.constant 0 : i32
      %parallel_loop3A_221 = arith.cmpi slt, %parallel_loop3A_214, %parallel_loop3A_220 : i32
      %parallel_loop3A_222 = arith.xori %parallel_loop3A_219, %parallel_loop3A_221 : i1
      %parallel_loop3A_223 = arith.andi %parallel_loop3A_222, %parallel_loop3A_217 : i1
      %parallel_loop3A_224 = arith.addi %parallel_loop3A_215, %parallel_loop3A_214 : i32
      %parallel_loop3A_225 = arith.select %parallel_loop3A_223, %parallel_loop3A_224, %parallel_loop3A_215 : i32
      %parallel_loop3A_226 = arith.constant 16 : i32
      %parallel_loop3A_227 = arith.muli %parallel_loop3A_225, %parallel_loop3A_226 : i32
      %parallel_loop3A_228 = arith.index_cast %parallel_loop3A_209 : i32 to index
      %parallel_loop3A_229 = arith.index_cast %parallel_loop3A_227 : i32 to index
      %parallel_loop3A_230 = tpu.vector_load %arg6[%parallel_loop3A_228, %parallel_loop3A_229] {strides = array<i32>} : memref<4x1024xf32, #tpu.memory_space<vmem>>, vector<1x16xf32>,
      %parallel_loop3A_231 = vector.shape_cast %parallel_loop3A_230 : vector<1x16xf32> to vector<16xf32>
      %parallel_loop3A_232 = arith.constant 0 : i32
      %parallel_loop3A_233 = arith.index_cast %parallel_loop3A_232 : i32 to index
      %parallel_loop3A_234 = arith.index_cast %parallel_loop3A_209 : i32 to index
      %parallel_loop3A_235 = arith.index_cast %parallel_loop3A_227 : i32 to index
      %parallel_loop3A_236 = tpu.vector_load %arg8[%parallel_loop3A_233, %parallel_loop3A_234, %parallel_loop3A_235] {strides = array<i32>} : memref<4x4x1024xf32, #tpu.memory_space<vmem>>, vector<1x1x16xf32>,
      %parallel_loop3A_237 = vector.shape_cast %parallel_loop3A_236 : vector<1x1x16xf32> to vector<16xf32>
      %parallel_loop3A_238 = arith.addf %parallel_loop3A_237, %parallel_loop3A_231 : vector<16xf32>
      %parallel_loop3A_239 = arith.constant 0 : i32
      %parallel_loop3A_240 = arith.index_cast %parallel_loop3A_239 : i32 to index
      %parallel_loop3A_241 = arith.index_cast %parallel_loop3A_209 : i32 to index
      %parallel_loop3A_242 = arith.index_cast %parallel_loop3A_227 : i32 to index
      %parallel_loop3A_243 = tpu.vector_load %arg10[%parallel_loop3A_240, %parallel_loop3A_241, %parallel_loop3A_242] {strides = array<i32>} : memref<4x4x1024xf32, #tpu.memory_space<vmem>>, vector<1x1x16xf32>,
      %parallel_loop3A_244 = vector.shape_cast %parallel_loop3A_243 : vector<1x1x16xf32> to vector<16xf32>
      %parallel_loop3A_245 = vector.shape_cast %parallel_loop3A_238 : vector<16xf32> to vector<1x1x16xf32>
      tpu.vector_store %arg10[%parallel_loop3A_240, %parallel_loop3A_241, %parallel_loop3A_242], %parallel_loop3A_245 {strides = array<i32>} : memref<4x4x1024xf32, #tpu.memory_space<vmem>>, vector<1x1x16xf32>,
      %parallel_loop3A_246 = arith.constant 1 : i32
      %parallel_loop3A_247 = arith.index_cast %parallel_loop3A_246 : i32 to index
      %parallel_loop3A_248 = arith.index_cast %parallel_loop3A_209 : i32 to index
      %parallel_loop3A_249 = arith.index_cast %parallel_loop3A_227 : i32 to index
      %parallel_loop3A_250 = tpu.vector_load %arg8[%parallel_loop3A_247, %parallel_loop3A_248, %parallel_loop3A_249] {strides = array<i32>} : memref<4x4x1024xf32, #tpu.memory_space<vmem>>, vector<1x1x16xf32>,
      %parallel_loop3A_251 = vector.shape_cast %parallel_loop3A_250 : vector<1x1x16xf32> to vector<16xf32>
      %parallel_loop3A_252 = arith.addf %parallel_loop3A_251, %parallel_loop3A_231 : vector<16xf32>
      %parallel_loop3A_253 = arith.constant 1 : i32
      %parallel_loop3A_254 = arith.index_cast %parallel_loop3A_253 : i32 to index
      %parallel_loop3A_255 = arith.index_cast %parallel_loop3A_209 : i32 to index
      %parallel_loop3A_256 = arith.index_cast %parallel_loop3A_227 : i32 to index
      %parallel_loop3A_257 = tpu.vector_load %arg10[%parallel_loop3A_254, %parallel_loop3A_255, %parallel_loop3A_256] {strides = array<i32>} : memref<4x4x1024xf32, #tpu.memory_space<vmem>>, vector<1x1x16xf32>,
      %parallel_loop3A_258 = vector.shape_cast %parallel_loop3A_257 : vector<1x1x16xf32> to vector<16xf32>
      %parallel_loop3A_259 = vector.shape_cast %parallel_loop3A_252 : vector<16xf32> to vector<1x1x16xf32>
      tpu.vector_store %arg10[%parallel_loop3A_254, %parallel_loop3A_255, %parallel_loop3A_256], %parallel_loop3A_259 {strides = array<i32>} : memref<4x4x1024xf32, #tpu.memory_space<vmem>>, vector<1x1x16xf32>,
      %parallel_loop3A_260 = arith.constant 2 : i32
      %parallel_loop3A_261 = arith.index_cast %parallel_loop3A_260 : i32 to index
      %parallel_loop3A_262 = arith.index_cast %parallel_loop3A_209 : i32 to index
      %parallel_loop3A_263 = arith.index_cast %parallel_loop3A_227 : i32 to index
      %parallel_loop3A_264 = tpu.vector_load %arg8[%parallel_loop3A_261, %parallel_loop3A_262, %parallel_loop3A_263] {strides = array<i32>} : memref<4x4x1024xf32, #tpu.memory_space<vmem>>, vector<1x1x16xf32>,
      %parallel_loop3A_265 = vector.shape_cast %parallel_loop3A_264 : vector<1x1x16xf32> to vector<16xf32>
      %parallel_loop3A_266 = arith.addf %parallel_loop3A_265, %parallel_loop3A_231 : vector<16xf32>
      %parallel_loop3A_267 = arith.constant 2 : i32
      %parallel_loop3A_268 = arith.index_cast %parallel_loop3A_267 : i32 to index
      %parallel_loop3A_269 = arith.index_cast %parallel_loop3A_209 : i32 to index
      %parallel_loop3A_270 = arith.index_cast %parallel_loop3A_227 : i32 to index
      %parallel_loop3A_271 = tpu.vector_load %arg10[%parallel_loop3A_268, %parallel_loop3A_269, %parallel_loop3A_270] {strides = array<i32>} : memref<4x4x1024xf32, #tpu.memory_space<vmem>>, vector<1x1x16xf32>,
      %parallel_loop3A_272 = vector.shape_cast %parallel_loop3A_271 : vector<1x1x16xf32> to vector<16xf32>
      %parallel_loop3A_273 = vector.shape_cast %parallel_loop3A_266 : vector<16xf32> to vector<1x1x16xf32>
      tpu.vector_store %arg10[%parallel_loop3A_268, %parallel_loop3A_269, %parallel_loop3A_270], %parallel_loop3A_273 {strides = array<i32>} : memref<4x4x1024xf32, #tpu.memory_space<vmem>>, vector<1x1x16xf32>,
      %parallel_loop3A_274 = arith.constant 3 : i32
      %parallel_loop3A_275 = arith.index_cast %parallel_loop3A_274 : i32 to index
      %parallel_loop3A_276 = arith.index_cast %parallel_loop3A_209 : i32 to index
      %parallel_loop3A_277 = arith.index_cast %parallel_loop3A_227 : i32 to index
      %parallel_loop3A_278 = tpu.vector_load %arg8[%parallel_loop3A_275, %parallel_loop3A_276, %parallel_loop3A_277] {strides = array<i32>} : memref<4x4x1024xf32, #tpu.memory_space<vmem>>, vector<1x1x16xf32>,
      %parallel_loop3A_279 = vector.shape_cast %parallel_loop3A_278 : vector<1x1x16xf32> to vector<16xf32>
      %parallel_loop3A_280 = arith.addf %parallel_loop3A_279, %parallel_loop3A_231 : vector<16xf32>
      %parallel_loop3A_281 = arith.constant 3 : i32
      %parallel_loop3A_282 = arith.index_cast %parallel_loop3A_281 : i32 to index
      %parallel_loop3A_283 = arith.index_cast %parallel_loop3A_209 : i32 to index
      %parallel_loop3A_284 = arith.index_cast %parallel_loop3A_227 : i32 to index
      %parallel_loop3A_285 = tpu.vector_load %arg10[%parallel_loop3A_282, %parallel_loop3A_283, %parallel_loop3A_284] {strides = array<i32>} : memref<4x4x1024xf32, #tpu.memory_space<vmem>>, vector<1x1x16xf32>,
      %parallel_loop3A_286 = vector.shape_cast %parallel_loop3A_285 : vector<1x1x16xf32> to vector<16xf32>
      %parallel_loop3A_287 = vector.shape_cast %parallel_loop3A_280 : vector<16xf32> to vector<1x1x16xf32>
      tpu.vector_store %arg10[%parallel_loop3A_282, %parallel_loop3A_283, %parallel_loop3A_284], %parallel_loop3A_287 {strides = array<i32>} : memref<4x4x1024xf32, #tpu.memory_space<vmem>>, vector<1x1x16xf32>,
    } {sc.loop_unroll_factor = 8 : i64, sc.parallel_access}
    %add3A_161 = arith.constant 252 : i32
    %add3A_162 = arith.addi %mul3A_2, %add3A_161 : i32
    %dma_start3A_163 = arith.constant 0 : i32
    %dma_start3A_164 = arith.constant 0 : i32
    %dma_start3A_165 = tpu.memref_slice %arg4[%dma_start3A_163, %add3A_162, %dma_start3A_164] : memref<4x8192x1024xf32, #tpu.memory_space<hbm>> -> memref<4x4x1024xf32, #tpu.memory_space<hbm>>
    %dma_start3A_166 = arith.constant 0 : i32
    %dma_start3A_167 = arith.constant 0 : i32
    %dma_start3A_168 = tpu.memref_slice %arg4[%dma_start3A_166, %add3A_162, %dma_start3A_167] : memref<4x8192x1024xf32, #tpu.memory_space<hbm>> -> memref<4x4x1024xf32, #tpu.memory_space<hbm>>
    tpu.enqueue_dma source(%arg10 : memref<4x4x1024xf32, #tpu.memory_space<vmem>>) target(%dma_start3A_168 : memref<4x4x1024xf32, #tpu.memory_space<hbm>>) target_semaphore(%arg16 : memref<!tpu.dma_semaphore, #tpu.memory_space<semaphore_mem>>)
    %dma_wait3A_169 = arith.constant 0 : i32
    %dma_wait3A_170 = arith.constant 0 : i32
    %dma_wait3A_171 = arith.constant 0 : i32
    %dma_wait3A_172 = tpu.memref_slice %arg4[%dma_wait3A_169, %dma_wait3A_170, %dma_wait3A_171] : memref<4x8192x1024xf32, #tpu.memory_space<hbm>> -> memref<4x4x1024xf32, #tpu.memory_space<hbm>>
    %dma_wait3A_173 = arith.constant 0 : i32
    %dma_wait3A_174 = arith.constant 0 : i32
    %dma_wait3A_175 = arith.constant 0 : i32
    %dma_wait3A_176 = tpu.memref_slice %arg4[%dma_wait3A_173, %dma_wait3A_174, %dma_wait3A_175] : memref<4x8192x1024xf32, #tpu.memory_space<hbm>> -> memref<4x4x1024xf32, #tpu.memory_space<hbm>>
    tpu.wait_dma2 semaphore(%arg15 : memref<!tpu.dma_semaphore, #tpu.memory_space<semaphore_mem>>) src(%arg9 : memref<4x4x1024xf32, #tpu.memory_space<vmem>>) dst(%dma_wait3A_176 : memref<4x4x1024xf32, #tpu.memory_space<hbm>>)
    %dma_wait3A_177 = arith.constant 0 : i32
    %dma_wait3A_178 = arith.constant 0 : i32
    %dma_wait3A_179 = arith.constant 0 : i32
    %dma_wait3A_180 = tpu.memref_slice %arg4[%dma_wait3A_177, %dma_wait3A_178, %dma_wait3A_179] : memref<4x8192x1024xf32, #tpu.memory_space<hbm>> -> memref<4x4x1024xf32, #tpu.memory_space<hbm>>
    %dma_wait3A_181 = arith.constant 0 : i32
    %dma_wait3A_182 = arith.constant 0 : i32
    %dma_wait3A_183 = arith.constant 0 : i32
    %dma_wait3A_184 = tpu.memref_slice %arg4[%dma_wait3A_181, %dma_wait3A_182, %dma_wait3A_183] : memref<4x8192x1024xf32, #tpu.memory_space<hbm>> -> memref<4x4x1024xf32, #tpu.memory_space<hbm>>
    tpu.wait_dma2 semaphore(%arg16 : memref<!tpu.dma_semaphore, #tpu.memory_space<semaphore_mem>>) src(%arg10 : memref<4x4x1024xf32, #tpu.memory_space<vmem>>) dst(%dma_wait3A_184 : memref<4x4x1024xf32, #tpu.memory_space<hbm>>)
    return
  }
}

</mosaic_0001>

<sc_bundles>
// kernel: kernel.3.cloned.1.call-start
scs
__scs_entry_jumppad:
0x0: {  	(pc) =	sbr.rel $0x88, $3  }
0x1: {  	(tag) =	ssettag $0x0;
	lr =	simm.s32 $0x1  }
0x2: {  	[smem:$0x3F9F] =	sst lr;
	_ =	strace $0xD0000000  }
0x3: {  	_ = 	snop  }
0x4: {  	_ = 	snop  }
0x5: {  	_ = 	snop  }
0x6: {  	_ = 	snop  }
0x7: {  	_ = 	snop  }
__scs_overlays_trampoline_lowered:
0x8: {  	[smem:$0x3FAE] =	sst s0  }
0x9: {  	[smem:$0x3FAF] =	sst s1  }
0xa: {  	[smem:$0x3FB0] =	sst s2  }
0xb: {  	[smem:$0x3FB1] =	sst s3  }
0xc: {  	[smem:$0x3FB2] =	sst s4  }
0xd: {  	[smem:$0x3FB3] =	sst s5  }
0xe: {  	[smem:$0x3FB4] =	sst s6  }
0xf: {  	[smem:$0x3FB5] =	sst s7  }
0x10: {  	[smem:$0x3FB6] =	sst s8  }
0x11: {  	[smem:$0x3FB7] =	sst s9;
	s0 =	simm.s32 @!p0 $0x0  }
0x12: {  	s1 =	sld [smem:$0x3F9D];
	s0 =	simm.s32 @p0 $0x1  }
0x13: {  	[smem:$0x3FB8] =	sst s0;
	s0 =	simm.s32 @!p1 $0x0  }
0x14: {  	s2 =	sld [smem:$0x3F9C];
	s0 =	simm.s32 @p1 $0x1  }
0x15: {  	[smem:$0x3FB9] =	sst s0;
	s0 =	simm.s32 @!p2 $0x0  }
0x16: {  	s3 =	sld [smem:$0x3FDB];
	s0 =	simm.s32 @p2 $0x1  }
0x17: {  	s4 =	simm.s32 $0x1BF5;
	[smem:$0x3FBB] =	sst s0  }
0x18: {  	s0 =	sld [smem:$0x3F9E];
	_ =	swait.ge [sflag:s4], $0x0  }
0x19: {  	s7 =	sld [smem:$0x3F9F]  }
0x1a: {  	s8 =	sadd.s32 $0xFFFFE003, lr  }
0x1b: {  	s9 =	sadd.s32 $0xFFFFFEF7, lr;
	s5 =	simm.s32 $0xFFFFFFFF;
	p2 =	slt.u32 s8, $0xFFFFF086  }
0x1c: {  	p1 =	slt.u32 s9, $0xF7A;
	s5 =	simm.s32 @!p2 $0x0  }
0x1d: {  	s5 =	simm.s32 @p1 $0x1;
	p0 =	seq.s32 s7, s2  }
0x1e: {  	s7 =	smul.u32 @!p0 $0xF7A, s2;
	p2 =	seq.s32 @!p0 s5, $0x0  }
0x1f: {  	s9 =	smul.u32 $0xF7A, s1;
	s8 =	simm.s32 @!p0 $0x1BF5;
	p2 =	por !p2, p0  }
0x20: {  	[sflag:s8] =	ssyncset.s32 @!p0 $0xFFFFF086;
	s6 =	sadd.s32 @!p0 s3, s7;
	s7 =	simm.s32 @!p0 $0x108  }
0x21: {  	s3 =	sadd.s32 s3, s9;
	s6 =	sadd.s32 @!p0 $0x88, s6;
	s7 =	simm.s32 @p2 $0x1082  }
0x22: {  	[simem:s7], [sflag:s8] =	dma.local @!p0 [hbm:s6], $0xF7A  }
0x23: {  	s9 =	sor.u32 $0xD0000000, s2;
	s6 =	simm.s32 $0x108;
	_ =	swait.ge @!p0 [sflag:s8], $0x0  }
0x24: {  	s3 =	sadd.s32 $0x88, s3;
	s6 =	simm.s32 @!p1 $0x1082;
	[sflag:s4] =	ssyncset.s32 $0xFFFFF086  }
0x25: {  	[simem:s6], [sflag:s4] =	dma.local [hbm:s3], $0xF7A  }
0x26: {  	[smem:$0x3F9F] =	sst s1;
	(tag) =	ssettag s2;
	_ =	strace s9  }
0x27: {  	s1 =	sld [smem:$0x3FAF]  }
0x28: {  	s2 =	sld [smem:$0x3FB0]  }
0x29: {  	s4 =	sld [smem:$0x3FB2]  }
0x2a: {  	p0 =	seq.s32 s5, $0x0;
	s5 =	sld [smem:$0x3FB3]  }
0x2b: {  	s6 =	sld [smem:$0x3FB4]  }
0x2c: {  	s7 =	sld [smem:$0x3FB5]  }
0x2d: {  	s3 =	simm.s32 $0x108;
	s8 =	sld [smem:$0x3FB6]  }
0x2e: {  	s3 =	simm.s32 @!p0 $0x1082;
	s9 =	sld [smem:$0x3FB7]  }
0x2f: {  	lr =	sadd.s32 s0, s3;
	s0 =	sld [smem:$0x3FAE]  }
0x30: {  	s3 =	sld [smem:$0x3FB1]  }
0x31: {  	[smem:$0x3FBA] =	sst s10  }
0x32: {  	s10 =	sld [smem:$0x3FB8];
	_ =	sdelay $0x3  }
0x33: {  	p0 =	seq.s32 s10, $0x1;
	s10 =	sld [smem:$0x3FBA];
	_ =	sdelay $0x3  }
0x34: {  	[smem:$0x3FBA] =	sst s10  }
0x35: {  	s10 =	sld [smem:$0x3FB9];
	_ =	sdelay $0x3  }
0x36: {  	p1 =	seq.s32 s10, $0x1;
	s10 =	sld [smem:$0x3FBA];
	_ =	sdelay $0x3  }
0x37: {  	[smem:$0x3FBA] =	sst s10  }
0x38: {  	s10 =	sld [smem:$0x3FBB]  }
0x39: {  	_ = 	snop;
	(pc) =	sbr.ind lr, $3  }
0x3a: {  	_ = 	snop  }
0x3b: {  	_ = 	snop  }
0x3c: {  	p2 =	seq.s32 s10, $0x1;
	s10 =	sld [smem:$0x3FBA]  }
0x3d: {  	_ =	shalt  }
0x3e: {  	_ =	shalt  }
0x3f: {  	_ =	shalt  }
0x40: {  	_ =	shalt  }
0x41: {  	_ =	shalt  }
0x42: {  	_ =	shalt  }
0x43: {  	_ =	shalt  }
0x44: {  	_ =	shalt  }
0x45: {  	_ =	shalt  }
0x46: {  	_ =	shalt  }
0x47: {  	_ =	shalt  }
0x48: {  	_ =	shalt  }
0x49: {  	_ =	shalt  }
0x4a: {  	_ =	shalt  }
0x4b: {  	_ =	shalt  }
0x4c: {  	_ =	shalt  }
0x4d: {  	_ =	shalt  }
0x4e: {  	_ =	shalt  }
0x4f: {  	_ =	shalt  }
0x50: {  	_ =	shalt  }
0x51: {  	_ =	shalt  }
0x52: {  	_ =	shalt  }
0x53: {  	_ =	shalt  }
0x54: {  	_ =	shalt  }
0x55: {  	_ =	shalt  }
0x56: {  	_ =	shalt  }
0x57: {  	_ =	shalt  }
0x58: {  	_ =	shalt  }
0x59: {  	_ =	shalt  }
0x5a: {  	_ =	shalt  }
0x5b: {  	_ =	shalt  }
0x5c: {  	_ =	shalt  }
0x5d: {  	_ =	shalt  }
0x5e: {  	_ =	shalt  }
0x5f: {  	_ =	shalt  }
0x60: {  	_ =	shalt  }
0x61: {  	_ =	shalt  }
0x62: {  	_ =	shalt  }
0x63: {  	_ =	shalt  }
0x64: {  	_ =	shalt  }
0x65: {  	_ =	shalt  }
0x66: {  	_ =	shalt  }
0x67: {  	_ =	shalt  }
0x68: {  	_ =	shalt  }
0x69: {  	_ =	shalt  }
0x6a: {  	_ =	shalt  }
0x6b: {  	_ =	shalt  }
0x6c: {  	_ =	shalt  }
0x6d: {  	_ =	shalt  }
0x6e: {  	_ =	shalt  }
0x6f: {  	_ =	shalt  }
0x70: {  	_ =	shalt  }
0x71: {  	_ =	shalt  }
0x72: {  	_ =	shalt  }
0x73: {  	_ =	shalt  }
0x74: {  	_ =	shalt  }
0x75: {  	_ =	shalt  }
0x76: {  	_ =	shalt  }
0x77: {  	_ =	shalt  }
0x78: {  	_ =	shalt  }
0x79: {  	_ =	shalt  }
0x7a: {  	_ =	shalt  }
0x7b: {  	_ =	shalt  }
0x7c: {  	_ =	shalt  }
0x7d: {  	_ =	shalt  }
0x7e: {  	_ =	shalt  }
0x7f: {  	_ =	shalt  }
0x80: {  	_ =	shalt  }
0x81: {  	_ =	shalt  }
0x82: {  	_ =	shalt  }
0x83: {  	_ =	shalt  }
0x84: {  	_ =	shalt  }
0x85: {  	_ =	shalt  }
0x86: {  	_ =	shalt  }
0x87: {  	_ =	shalt  }
.Lfunc_end0:
.L_simem_size_0:
called_computation_lowered:
.L_overlay_start_0:
0x88: {  	s2 =	sld [smem:$0x3FD9]  }
0x89: {  	s3 =	sld [smem:$0x3FFE];
	_ =	sdelay $0x1  }
0x8a: {  	s1 =	srdreg.scid  }
0x8b: {  	s0 =	sand.u32 $0x1, s1  }
0x8c: {  	s18 =	sshll.u32 s0, $0xA;
	s2 =	sadd.s32 s3, s2  }
0x8d: {  	s2 =	sadd.s32 s2, s18  }
0x8e: {  	[smem:$0x3FC6] =	sst s2  }
0x8f: {  	_ = 	snop  }
0x90: {  	s2 =	sld [smem:$0x3FC9]  }
0x91: {  	s19 =	sld [smem:$0x3FC8]  }
0x92: {  	s4 =	sld [smem:$0x3FD0];
	(tm) =	ssettm $0x1  }
0x93: {  	s5 =	sld [smem:$0x3FFB];
	_ =	sdelay $0x3  }
0x94: {  	_ =	strace s5  }
0x95: {  	s5 =	sld [smem:$0x3FFC];
	_ =	sdelay $0x3  }
0x96: {  	_ =	strace s5  }
0x97: {  	s5 =	sld [smem:$0x3FFD];
	_ =	sdelay $0x3  }
0x98: {  	_ =	strace s5  }
0x99: {  	_ =	strace $0x8FFFFFFF  }
0x9a: {  	s20 =	sld [smem:$0x3FDB];
	_ =	sdelay $0x1  }
0x9b: {  	s6 =	simm.s32 $_scs_section_size  }
0x9c: {  	s7 =	simm.s32 $_size__tile_overlayer_lowered;
	s8 =	simm.s32 $_tile_overlayer_lowered  }
0x9d: {  	s23 =	simm.s32 $0x1BFF;
	s22 =	sshll.u32 s8, $0x1;
	s5 =	sadd.s32 s6, s20  }
0x9e: {  	s9 =	simm.s32 $0x0;
	s21 =	sshll.u32 s7, $0x1;
	s7 =	sadd.s32 s22, s5  }
0x9f: {  	[timem:s9], [sflag:s23] =	dma.local [hbm:s7], s21  }
0xa0: {  	_ =	swait.ge [sflag:s23], s21  }
0xa1: {  	s6 =	ssub.s32 $0x0, s21;
	[sflag:s23] =	ssyncset.done $0x0  }
0xa2: {  	[sflag:s23] =	ssyncadd.s32 s6;
	_ =	sdelay $0x1  }
0xa3: {  	s24 =	simm.s32 $0x1B8B  }
0xa4: {  	_ =	swait.ge [sflag:s24], $0x1  }
0xa5: {  	[sflag:s24] =	ssyncset.done $0x0  }
0xa6: {  	s25 =	simm.s32 $0x1B8E;
	[sflag:s24] =	ssyncadd.s32 $0xFFFFFFFF  }
0xa7: {  	s26 =	simm.s32 $execute0_lowered;
	[smem:$0x3FD2] =	sst s25  }
0xa8: {  	s6 =	sshll.u32 s26, $0x1;
	_ =	strace $0x80000046;
	[dreg:$0x1] =	wrdreg $0xFFFFFFFF  }
0xa9: {  	s28 =	simm.s32 $_size_execute0_lowered;
	s5 =	sadd.s32 s5, s6;
	[dreg:$0x0] =	wrdreg $0x0  }
0xaa: {  	s6 =	sshll.u32 s28, $0x1;
	[dreg:$0x2] =	wrdreg s5  }
0xab: {  	[dreg:$0x3] =	wrdreg s6  }
0xac: {  	[dreg:$0x4] =	wrdreg $0xC0  }
0xad: {  	_ =	task [dreg:s9], $0x5FFFF  }
0xae: {  	[dreg:$0x1] =	wrdreg $0xFFFFFFFF  }
0xaf: {  	[dreg:$0x0] =	wrdreg $0x60  }
0xb0: {  	[dreg:$0x2] =	wrdreg s2  }
0xb1: {  	[dreg:$0x3] =	wrdreg s19  }
0xb2: {  	[dreg:$0x4] =	wrdreg s4  }
0xb3: {  	[dreg:$0x5] =	wrdreg $0x9  }
0xb4: {  	_ =	task.clear_ibuf [dreg:s9], $0x6FFFF;
	_ =	strace $0x90000046  }
0xb5: {  	s29 =	simm.s32 $0x9;
	_ =	strace $0x80000048  }
0xb6: {  	_ =	swait.ge [sflag:s29], $0x1  }
0xb7: {  	[sflag:s29] =	ssyncadd.s32 $0xFFFFFFFF  }
0xb8: {  	_ =	strace $0x90000048  }
0xb9: {  	_ =	sfence  }
0xba: {  	s30 =	sld [smem:$0x0];
	_ =	sdelay $0x2  }
0xbb: {  	s31 =	sshll.u32 s1, $0xD;
	s1 =	sshrl.u32 s1, $0x2  }
0xbc: {  	s3 =	sand.u32 $0x4000, s31;
	s1 =	sadd.s32 s1, s30  }
0xbd: {  	s0 =	sor.u32 s3, s0;
	s1 =	sshll.u32 s1, $0x11  }
0xbe: {  	s0 =	sor.u32 s1, s0  }
0xbf: {  	s0 =	sadd.s32 $0x8F2B, s0  }
0xc0: {  	[sflag:s0] =	ssyncadd.remote.s32 $0x1  }
0xc1: {  	_ =	sfence.sel $0xFFFF  }
0xc2: {  	[dreg:$0x0] =	wrdreg $0xFFFFFFFF;
	(pc) =	sbr.abs _section_cstart, $3  }
0xc3: {  	[dreg:$0x1] =	wrdreg $0xFFFFFFFF  }
0xc4: {  	_ =	task.clear_ibuf [dreg:s9], $0x2FFFF;
	_ =	strace $0x9FFFFFFF  }
0xc5: {  	(tm) =	ssettm $0x7FFFFFFF  }
tec
execute0_lowered:
.L_overlay_start_1:
0x0: {  	(tag) =	ssettag $0x1  }
0x1: {  	s2 =	rddreg [dreg:$0x0]  }
0x2: {  	s6 =	rddreg [dreg:$0x1]  }
0x3: {  	s7 =	rddreg [dreg:$0x2];
	s0 =	srdreg.scid  }
0x4: {  	s4 =	simm.s32 $0x0;
	s3 =	stileid.u32;
	s0 =	sand.u32 $0x1, s0  }
0x5: {  	s3 =	sshll.u32 s3, $0x9;
	s1 =	ssub.s32 $0x2, s0;
	s0 =	sshll.u32 s0, $0x8  }
0x6: {  	[smem:$0x7FF] =	sst s4;
	s19 =	sadd.s32 $0x40, s7;
	s0 =	sor.u32 s0, s3  }
0x7: {  	_ =	strace $0x80000047;
	[dreg:$0x10] =	wrdreg s19;
	s18 =	sor.u32 $0x8, s0  }
0x8: {  	s3 =	sshll.u32 s0, $0x7;
	s0 =	sor.u32 $0x10, s0;
	[dreg:$0xe] =	wrdreg s18  }
0x9: {  	s13 =	sshrl.u32 s1, $0x1;
	s14 =	sadd.s32 s6, s3;
	[dreg:$0xf] =	wrdreg s0  }
0xa: {  	s1 =	ssub.s32 s1, s13;
	s10 =	sadd.s32 s7, s3;
	[dreg:$0x4] =	wrdreg s14  }
0xb: {  	s22 =	smax.u32 s1, $0x1;
	[dreg:$0x8] =	wrdreg s10  }
0xc: {  	s8 =	sadd.s32 s2, s3;
	s15 =	sor.u32 $0x40, s3;
	[dreg:$0x13] =	wrdreg s22  }
0xd: {  	s16 =	sor.u32 $0x400, s3;
	s5 =	sadd.s32 s6, s15;
	[dreg:$0x5] =	wrdreg s8  }
0xe: {  	s11 =	sadd.s32 s6, s16;
	[dreg:$0x6] =	wrdreg s5  }
0xf: {  	s3 =	sor.u32 $0x440, s3;
	s4 =	sadd.s32 s7, s15;
	[dreg:$0x9] =	wrdreg s11  }
0x10: {  	s17 =	sadd.s32 s6, s3;
	[dreg:$0xb] =	wrdreg s4  }
0x11: {  	s20 =	sadd.s32 $0x7C00, s10;
	[dreg:$0xc] =	wrdreg s17  }
0x12: {  	s21 =	sadd.s32 $0x7C40, s10;
	[dreg:$0x11] =	wrdreg s20  }
0x13: {  	s23 =	sadd.s32 $0x100000, s8;
	[dreg:$0x12] =	wrdreg s21  }
0x14: {  	s24 =	sadd.s32 $0x200000, s8;
	[dreg:$0x14] =	wrdreg s23  }
0x15: {  	s25 =	sadd.s32 $0x300000, s8;
	[dreg:$0x15] =	wrdreg s24  }
0x16: {  	s29 =	simm.s32 $0x200;
	s9 =	sadd.s32 s2, s15;
	[dreg:$0x16] =	wrdreg s25  }
0x17: {  	s30 =	simm.s32 $0x400;
	s5 =	sadd.s32 s2, s16;
	[dreg:$0x7] =	wrdreg s9  }
0x18: {  	s1 =	simm.s32 $0x0;
	s2 =	sadd.s32 s2, s3;
	[dreg:$0xa] =	wrdreg s5  }
0x19: {  	s10 =	simm.s32 $0x6;
	s26 =	sadd.s32 $0x100000, s9;
	[dreg:$0xd] =	wrdreg s2  }
0x1a: {  	s28 =	sadd.s32 $0x200000, s9;
	s31 =	sadd.s32 $0x300000, s9;
	[dreg:$0x17] =	wrdreg s26  }
0x1b: {  	s24 =	simm.s32 $0x3;
	s9 =	simm.s32 $0x2;
	[dreg:$0x18] =	wrdreg s28  }
0x1c: {  	s20 =	simm.s32 $0x5;
	[dreg:$0x19] =	wrdreg s31;
	s5 =	simm.s32 $0x4  }
.LBB2_1:
0x1d: {  	[dreg:$0x1a] =	wrdreg s1  }
0x1e: {  	s2 =	simm.s32 $0x0;
	s0 =	rddreg [dreg:$0x4]  }
0x1f: {  	[tilespmem:s2], [sflag:$0x1] =	stream.strided.gather [hbm4b:s0+s29], $0x1000, s30, s29, $0x38;
	[tilespmem:$0x12000] =	vst v63  }
0x20: {  	s28 =	rddreg [dreg:$0x5];
	s31 =	simm.s32 $0x2000  }
0x21: {  	[tilespmem:s31], [sflag:$0x3] =	stream.strided.gather [hbm4b:s28+s29], $0x1000, s30, s29, $0x38;
	[tilespmem:$0x12000] =	vst v63  }
0x22: {  	s1 =	rddreg [dreg:$0x14];
	s3 =	simm.s32 $0x3000  }
0x23: {  	[tilespmem:s3], [sflag:$0x3] =	stream.strided.gather [hbm4b:s1+s29], $0x1000, s30, s29, $0x38;
	[tilespmem:$0x12000] =	vst v63  }
0x24: {  	s4 =	rddreg [dreg:$0x15];
	s6 =	simm.s32 $0x4000  }
0x25: {  	[tilespmem:s6], [sflag:$0x3] =	stream.strided.gather [hbm4b:s4+s29], $0x1000, s30, s29, $0x38;
	[tilespmem:$0x12000] =	vst v63  }
0x26: {  	s7 =	rddreg [dreg:$0x16];
	s8 =	simm.s32 $0x5000  }
0x27: {  	[tilespmem:s8], [sflag:$0x3] =	stream.strided.gather [hbm4b:s7+s29], $0x1000, s30, s29, $0x38;
	[tilespmem:$0x12000] =	vst v63  }
0x28: {  	s11 =	rddreg [dreg:$0x6];
	s12 =	simm.s32 $0x1000  }
0x29: {  	[tilespmem:s12], [sflag:$0x2] =	stream.strided.gather [hbm4b:s11+s29], $0x1000, s30, s29, $0x38;
	[tilespmem:$0x12000] =	vst v63  }
0x2a: {  	s13 =	rddreg [dreg:$0x7];
	s14 =	simm.s32 $0x6000  }
0x2b: {  	[tilespmem:s14], [sflag:$0x4] =	stream.strided.gather [hbm4b:s13+s29], $0x1000, s30, s29, $0x38;
	[tilespmem:$0x12000] =	vst v63  }
0x2c: {  	s15 =	rddreg [dreg:$0x17];
	s16 =	simm.s32 $0x7000  }
0x2d: {  	[tilespmem:s16], [sflag:$0x4] =	stream.strided.gather [hbm4b:s15+s29], $0x1000, s30, s29, $0x38;
	[tilespmem:$0x12000] =	vst v63  }
0x2e: {  	s17 =	rddreg [dreg:$0x18];
	s18 =	simm.s32 $0x8000  }
0x2f: {  	[tilespmem:s18], [sflag:$0x4] =	stream.strided.gather [hbm4b:s17+s29], $0x1000, s30, s29, $0x38;
	[tilespmem:$0x12000] =	vst v63  }
0x30: {  	s19 =	rddreg [dreg:$0x19];
	s21 =	simm.s32 $0x9000;
	s22 =	simm.s32 $0x1  }
0x31: {  	[tilespmem:s21], [sflag:$0x4] =	stream.strided.gather [hbm4b:s19+s29], $0x1000, s30, s29, $0x38;
	[tilespmem:$0x12000] =	vst v63  }
0x32: {  	_ =	swait.ge [sflag:s22], $0x1000  }
0x33: {  	[sflag:s22] =	ssyncset.done $0x0  }
0x34: {  	s23 =	sand.u32 $0x7, s2;
	[sflag:s22] =	ssyncadd.s32 $0xFFFFF000  }
0x35: {  	s0 =	sshll.u32 s23, $0x9;
	_ =	swait.ge [sflag:s24], $0x4000  }
0x36: {  	s0 =	sadd.s32 $0x0, s0;
	[sflag:s24] =	ssyncset.done $0x0  }
0x37: {  	s25 =	sor.u32 $0x70, s0;
	[sflag:s24] =	ssyncadd.s32 $0xFFFFC000  }
0x38: {  	v2 =	vld [tilespmem:s25+$0x0]  }
0x39: {  	v0 =	vld [tilespmem:s25+$0x2000];
	_ =	sdelay $0x4  }
0x3a: {  	v0 =	vadd.f32 v0, v2;
	_ =	sdelay $0x1  }
0x3b: {  	s26 =	sor.u32 $0x1070, s0;
	[tilespmem:s25+$0xA000] =	vst v0  }
0x3c: {  	v0 =	vld [tilespmem:s26+$0x2000];
	_ =	sdelay $0x4  }
0x3d: {  	v0 =	vadd.f32 v0, v2;
	_ =	sdelay $0x1  }
0x3e: {  	s0 =	sor.u32 $0x2070, s0;
	[tilespmem:s26+$0xA000] =	vst v0  }
0x3f: {  	v0 =	vld [tilespmem:s0+$0x2000];
	_ =	sdelay $0x4  }
0x40: {  	v0 =	vadd.f32 v0, v2  }
0x41: {  	s28 =	sor.u32 s2, s2  }
0x42: {  	s3 =	sand.u32 $0x180, s2;
	s1 =	sor.u32 $0x3070, s28;
	s4 =	sand.u32 $0xE00, s2;
	[tilespmem:s0+$0xA000] =	vst v0  }
0x43: {  	s0 =	sor.u32 s3, s4;
	v3 =	vld [tilespmem:s1+$0x2000]  }
0x44: {  	v0 =	vld [tilespmem:s0+$0x0]  }
0x45: {  	v4 =	vld [tilespmem:s0+$0x2000]  }
0x46: {  	v6 =	vld [tilespmem:s0+$0x3000]  }
0x47: {  	v7 =	vld [tilespmem:s0+$0x4000]  }
0x48: {  	s31 =	sand.u32 $0xFFFFFF80, s2;
	v1 =	vld [tilespmem:s0+$0x10]  }
0x49: {  	s6 =	sadd.s32 $0x0, s31;
	v2 =	vadd.f32 v3, v2;
	v3 =	vld [tilespmem:s0+$0x2010]  }
0x4a: {  	s8 =	sor.u32 $0x3040, s6;
	s7 =	simm.s32 $0x1;
	v5 =	vld [tilespmem:s0+$0x3010];
	v8 =	vadd.f32 v4, v0  }
0x4b: {  	s11 =	sor.u32 $0x3020, s6;
	s12 =	simm.s32 $0x0;
	s14 =	sor.u32 $0x3010, s6;
	v6 =	vadd.f32 v6, v0;
	v4 =	vld [tilespmem:s0+$0x4010];
	[tilespmem:s1+$0xA000] =	vst v2  }
0x4c: {  	s21 =	sor.u32 $0x3000, s6;
	s22 =	simm.s32 $0x0;
	s25 =	simm.s32 $0x0;
	v7 =	vadd.f32 v7, v0;
	[tilespmem:s0+$0xA000] =	vst v8;
	v2 =	vld [tilespmem:s0+$0x20]  }
0x4d: {  	s3 =	sor.u32 $0x3030, s6;
	s4 =	sor.u32 $0x3050, s6;
	s6 =	sor.u32 $0x3060, s6;
	[tilespmem:s0+$0xB000] =	vst v6;
	v6 =	vld [tilespmem:s0+$0x2020]  }
.LBB2_2:
0x4e: {  	s1 =	sand.u32 $0x7, s7;
	[tilespmem:s0+$0xC000] =	vst v7;
	v3 =	vadd.f32 v3, v1;
	v7 =	vld [tilespmem:s0+$0x3020]  }
0x4f: {  	s22 =	sadd.s32 $0x8, s22;
	s25 =	sadd.s32 $0x10, s25;
	s1 =	sshll.u32 s1, $0x9;
	v5 =	vadd.f32 v5, v1;
	v8 =	vld [tilespmem:s0+$0x4020]  }
0x50: {  	s13 =	sand.u32 $0x180, s25;
	p0 =	slt.u32 s22, $0xF8;
	s19 =	sadd.s32 s1, s25;
	[tilespmem:s0+$0xA010] =	vst v3;
	v4 =	vadd.f32 v4, v1;
	v9 =	vld [tilespmem:s0+$0x30]  }
0x51: {  	s15 =	sand.u32 $0xFFFFFF80, s25;
	s1 =	sor.u32 $0x70, s19;
	[tilespmem:s0+$0xB010] =	vst v5;
	v5 =	vld [tilespmem:s0+$0x2030]  }
0x52: {  	v3 =	vld [tilespmem:s1+$0x0];
	[tilespmem:s0+$0xC010] =	vst v4;
	v4 =	vadd.f32 v6, v2  }
0x53: {  	v6 =	vld [tilespmem:s1+$0x2000];
	v7 =	vadd.f32 v7, v2  }
0x54: {  	[tilespmem:s0+$0xA020] =	vst v4;
	v4 =	vadd.f32 v8, v2;
	v8 =	vld [tilespmem:s0+$0x3030]  }
0x55: {  	[tilespmem:s0+$0xB020] =	vst v7;
	v7 =	vld [tilespmem:s0+$0x4030]  }
0x56: {  	[tilespmem:s0+$0xC020] =	vst v4;
	v4 =	vadd.f32 v5, v9;
	v5 =	vld [tilespmem:s0+$0x40]  }
0x57: {  	v10 =	vld [tilespmem:s0+$0x2040]  }
0x58: {  	v6 =	vadd.f32 v6, v3;
	[tilespmem:s0+$0xA030] =	vst v4;
	v4 =	vld [tilespmem:s0+$0x3040]  }
0x59: {  	v8 =	vadd.f32 v8, v9;
	v11 =	vld [tilespmem:s0+$0x4040]  }
0x5a: {  	[tilespmem:s1+$0xA000] =	vst v6;
	s1 =	sor.u32 $0x1070, s19;
	v6 =	vadd.f32 v7, v9;
	v7 =	vld [tilespmem:s0+$0x50]  }
0x5b: {  	v12 =	vld [tilespmem:s1+$0x2000];
	[tilespmem:s0+$0xB030] =	vst v8  }
0x5c: {  	[tilespmem:s0+$0xC030] =	vst v6;
	v6 =	vadd.f32 v10, v5;
	v8 =	vld [tilespmem:s0+$0x2050]  }
0x5d: {  	v4 =	vadd.f32 v4, v5;
	v10 =	vld [tilespmem:s0+$0x3050]  }
0x5e: {  	[tilespmem:s0+$0xA040] =	vst v6;
	v6 =	vadd.f32 v11, v5;
	v11 =	vld [tilespmem:s0+$0x4050]  }
0x5f: {  	[tilespmem:s0+$0xB040] =	vst v4;
	v4 =	vld [tilespmem:s0+$0x60]  }
0x60: {  	v12 =	vadd.f32 v12, v3;
	[tilespmem:s0+$0xC040] =	vst v6;
	v6 =	vld [tilespmem:s0+$0x2060]  }
0x61: {  	v8 =	vadd.f32 v8, v7;
	v13 =	vld [tilespmem:s0+$0x3060]  }
0x62: {  	[tilespmem:s1+$0xA000] =	vst v12;
	s1 =	sor.u32 $0x2070, s19;
	v10 =	vadd.f32 v10, v7;
	v12 =	vld [tilespmem:s0+$0x4060]  }
0x63: {  	v14 =	vld [tilespmem:s1+$0x2000];
	[tilespmem:s0+$0xA050] =	vst v8;
	v8 =	vadd.f32 v11, v7  }
0x64: {  	v11 =	vld [tilespmem:s21+$0x2000];
	[tilespmem:s0+$0xB050] =	vst v10  }
0x65: {  	v10 =	vld [tilespmem:s14+$0x2000];
	[tilespmem:s0+$0xC050] =	vst v8;
	v6 =	vadd.f32 v6, v4  }
0x66: {  	v8 =	vld [tilespmem:s11+$0x2000];
	v13 =	vadd.f32 v13, v4  }
0x67: {  	v15 =	vld [tilespmem:s3+$0x2000];
	[tilespmem:s0+$0xA060] =	vst v6;
	v6 =	vadd.f32 v12, v4  }
0x68: {  	s12 =	sadd.s32 $0x200, s12;
	v12 =	vadd.f32 v14, v3;
	v14 =	vld [tilespmem:s8+$0x2000];
	[tilespmem:s0+$0xB060] =	vst v13  }
0x69: {  	s26 =	sor.u32 s12, s25;
	s15 =	sadd.s32 s15, s12;
	s19 =	sand.u32 $0xE00, s12;
	v0 =	vadd.f32 v11, v0;
	v11 =	vld [tilespmem:s4+$0x2000];
	[tilespmem:s0+$0xC060] =	vst v6  }
0x6a: {  	s0 =	sor.u32 s13, s19;
	s13 =	sor.u32 $0x3000, s15;
	[tilespmem:s1+$0xA000] =	vst v12;
	s1 =	sor.u32 $0x3070, s26;
	v1 =	vadd.f32 v10, v1;
	v6 =	vld [tilespmem:s6+$0x2000]  }
0x6b: {  	s28 =	sor.u32 $0x3030, s15;
	s19 =	sor.u32 $0x3010, s15;
	s26 =	sor.u32 $0x3020, s15;
	v10 =	vld [tilespmem:s1+$0x2000];
	[tilespmem:s21+$0xA000] =	vst v0;
	v2 =	vadd.f32 v8, v2  }
0x6c: {  	s31 =	sor.u32 $0x3040, s15;
	s2 =	sor.u32 $0x3050, s15;
	s15 =	sor.u32 $0x3060, s15;
	v0 =	vld [tilespmem:s0+$0x0];
	[tilespmem:s14+$0xA000] =	vst v1;
	v1 =	vadd.f32 v15, v9  }
0x6d: {  	s21 =	smov.u32 s13;
	s14 =	smov.u32 s19;
	v8 =	vld [tilespmem:s0+$0x2000];
	[tilespmem:s11+$0xA000] =	vst v2;
	v2 =	vadd.f32 v14, v5;
	s11 =	smov.u32 s26  }
0x6e: {  	v9 =	vld [tilespmem:s0+$0x3000];
	[tilespmem:s3+$0xA000] =	vst v1;
	v5 =	vadd.f32 v11, v7;
	s3 =	smov.u32 s28  }
0x6f: {  	v7 =	vld [tilespmem:s0+$0x4000];
	[tilespmem:s8+$0xA000] =	vst v2;
	v2 =	vadd.f32 v6, v4;
	s8 =	smov.u32 s31  }
0x70: {  	v1 =	vld [tilespmem:s0+$0x10];
	v4 =	vadd.f32 v10, v3;
	[tilespmem:s4+$0xA000] =	vst v5;
	s4 =	smov.u32 s2  }
.Ltmp0:
0x71: {  	v3 =	vld [tilespmem:s0+$0x2010];
	[tilespmem:s6+$0xA000] =	vst v2;
	s6 =	smov.u32 s15;
	(pc) =	sbr.rel @p0 .LBB2_2-.Ltmp0, $4  }
0x72: {  	v2 =	vadd.f32 v8, v0;
	v5 =	vld [tilespmem:s0+$0x3010];
	[tilespmem:s1+$0xA000] =	vst v4  }
0x73: {  	v6 =	vadd.f32 v9, v0;
	v4 =	vld [tilespmem:s0+$0x4010]  }
0x74: {  	[tilespmem:s0+$0xA000] =	vst v2;
	v7 =	vadd.f32 v7, v0;
	v2 =	vld [tilespmem:s0+$0x20]  }
0x75: {  	s7 =	sadd.s32 $0x1, s7;
	[tilespmem:s0+$0xB000] =	vst v6;
	v6 =	vld [tilespmem:s0+$0x2020]  }
0x76: {  	v8 =	vld [tilespmem:s0+$0x3020]  }
0x77: {  	v9 =	vld [tilespmem:s0+$0x4020]  }
0x78: {  	v10 =	vld [tilespmem:s0+$0x30]  }
0x79: {  	v11 =	vld [tilespmem:s0+$0x2030]  }
0x7a: {  	v12 =	vld [tilespmem:s0+$0x3030]  }
0x7b: {  	v3 =	vadd.f32 v3, v1;
	v13 =	vld [tilespmem:s0+$0x4030]  }
0x7c: {  	[tilespmem:s0+$0xC000] =	vst v7;
	v7 =	vld [tilespmem:s0+$0x40];
	v5 =	vadd.f32 v5, v1  }
0x7d: {  	v56 =	vld [tilespmem:s0+$0x50];
	[tilespmem:s0+$0xA010] =	vst v3;
	v3 =	vadd.f32 v4, v1  }
0x7e: {  	v57 =	vld [tilespmem:s0+$0x2050];
	[tilespmem:s0+$0xB010] =	vst v5;
	v5 =	vadd.f32 v6, v2  }
0x7f: {  	v4 =	vld [tilespmem:s0+$0x2040];
	[tilespmem:s0+$0xC010] =	vst v3;
	v3 =	vadd.f32 v8, v2  }
0x80: {  	v6 =	vld [tilespmem:s0+$0x3040];
	[tilespmem:s0+$0xA020] =	vst v5;
	v5 =	vadd.f32 v9, v2  }
0x81: {  	v8 =	vld [tilespmem:s0+$0x4040];
	[tilespmem:s0+$0xB020] =	vst v3;
	v3 =	vadd.f32 v11, v10  }
0x82: {  	v58 =	vld [tilespmem:s0+$0x3050];
	[tilespmem:s0+$0xC020] =	vst v5;
	v5 =	vadd.f32 v12, v10  }
0x83: {  	v59 =	vld [tilespmem:s0+$0x4050];
	[tilespmem:s0+$0xA030] =	vst v3;
	v3 =	vadd.f32 v13, v10  }
0x84: {  	v4 =	vadd.f32 v4, v7;
	[tilespmem:s0+$0xB030] =	vst v5;
	v5 =	vld [tilespmem:s0+$0x60]  }
0x85: {  	[tilespmem:s0+$0xC030] =	vst v3;
	v3 =	vadd.f32 v6, v7;
	v6 =	vld [tilespmem:s0+$0x2060]  }
0x86: {  	[tilespmem:s0+$0xA040] =	vst v4;
	v4 =	vadd.f32 v8, v7;
	v8 =	vld [tilespmem:s0+$0x3060]  }
0x87: {  	v60 =	vld [tilespmem:s0+$0x4060];
	[tilespmem:s0+$0xB040] =	vst v3;
	v3 =	vadd.f32 v57, v56  }
0x88: {  	[tilespmem:s0+$0xC040] =	vst v4;
	v4 =	vadd.f32 v58, v56  }
0x89: {  	v61 =	vld [tilespmem:s21+$0x2000];
	[tilespmem:s0+$0xA050] =	vst v3;
	v3 =	vadd.f32 v59, v56  }
0x8a: {  	[tilespmem:s0+$0xB050] =	vst v4;
	v4 =	vld [tilespmem:s14+$0x2000];
	v6 =	vadd.f32 v6, v5  }
0x8b: {  	v8 =	vadd.f32 v8, v5;
	[tilespmem:s0+$0xC050] =	vst v3;
	v3 =	vld [tilespmem:s11+$0x2000]  }
0x8c: {  	v62 =	vld [tilespmem:s3+$0x2000];
	[tilespmem:s0+$0xA060] =	vst v6;
	v6 =	vadd.f32 v60, v5  }
0x8d: {  	v63 =	vld [tilespmem:s8+$0x2000];
	[tilespmem:s0+$0xB060] =	vst v8  }
0x8e: {  	v0 =	vadd.f32 v61, v0;
	v8 =	vld [tilespmem:s4+$0x2000];
	[tilespmem:s0+$0xC060] =	vst v6  }
0x8f: {  	v1 =	vadd.f32 v4, v1;
	v4 =	vld [tilespmem:s6+$0x2000]  }
0x90: {  	[tilespmem:s21+$0xA000] =	vst v0;
	v0 =	vadd.f32 v3, v2  }
0x91: {  	[tilespmem:s14+$0xA000] =	vst v1;
	v1 =	vadd.f32 v62, v10  }
0x92: {  	[tilespmem:s11+$0xA000] =	vst v0;
	v0 =	vadd.f32 v63, v7  }
0x93: {  	[tilespmem:s3+$0xA000] =	vst v1;
	v1 =	vadd.f32 v8, v56  }
0x94: {  	[tilespmem:s8+$0xA000] =	vst v0;
	v0 =	vadd.f32 v4, v5  }
0x95: {  	[tilespmem:s4+$0xA000] =	vst v1  }
0x96: {  	[tilespmem:s6+$0xA000] =	vst v0  }
0x97: {  	s28 =	simm.s32 $0xA000;
	s1 =	rddreg [dreg:$0x8]  }
0x98: {  	[hbm4b:s1+s29] =	stream.strided.scatter [tilespmem:s28], [sflag:$0x5], $0x1000, s30, s29, $0x38;
	[tilespmem:$0x12000] =	vst v63  }
0x99: {  	s2 =	simm.s32 $0xB000;
	s31 =	sadd.s32 $0x100000, s1  }
0x9a: {  	[hbm4b:s31+s29] =	stream.strided.scatter [tilespmem:s2], [sflag:$0x5], $0x1000, s30, s29, $0x38;
	[tilespmem:$0x12000] =	vst v63  }
0x9b: {  	s4 =	simm.s32 $0xC000;
	s3 =	sadd.s32 $0x200000, s1  }
0x9c: {  	[hbm4b:s3+s29] =	stream.strided.scatter [tilespmem:s4], [sflag:$0x5], $0x1000, s30, s29, $0x38;
	[tilespmem:$0x12000] =	vst v63  }
0x9d: {  	s7 =	simm.s32 $0xD000;
	s6 =	sadd.s32 $0x300000, s1  }
0x9e: {  	[hbm4b:s6+s29] =	stream.strided.scatter [tilespmem:s7], [sflag:$0x5], $0x1000, s30, s29, $0x38;
	[tilespmem:$0x12000] =	vst v63  }
0x9f: {  	s22 =	simm.s32 $0x0;
	s8 =	rddreg [dreg:$0x9]  }
0xa0: {  	[tilespmem:s22], [sflag:$0x1] =	stream.strided.gather [hbm4b:s8+s29], $0x1000, s30, s29, $0x38;
	[tilespmem:$0x12000] =	vst v63  }
0xa1: {  	s12 =	simm.s32 $0x2000;
	s11 =	rddreg [dreg:$0xa]  }
0xa2: {  	[tilespmem:s12], [sflag:$0x3] =	stream.strided.gather [hbm4b:s11+s29], $0x1000, s30, s29, $0x38;
	[tilespmem:$0x12000] =	vst v63  }
0xa3: {  	s14 =	simm.s32 $0x3000;
	s13 =	sadd.s32 $0x100000, s11  }
0xa4: {  	[tilespmem:s14], [sflag:$0x3] =	stream.strided.gather [hbm4b:s13+s29], $0x1000, s30, s29, $0x38;
	[tilespmem:$0x12000] =	vst v63  }
0xa5: {  	s16 =	simm.s32 $0x4000;
	s15 =	sadd.s32 $0x200000, s11  }
0xa6: {  	[tilespmem:s16], [sflag:$0x3] =	stream.strided.gather [hbm4b:s15+s29], $0x1000, s30, s29, $0x38;
	[tilespmem:$0x12000] =	vst v63  }
0xa7: {  	s18 =	simm.s32 $0x5000;
	s17 =	sadd.s32 $0x300000, s11  }
0xa8: {  	[tilespmem:s18], [sflag:$0x3] =	stream.strided.gather [hbm4b:s17+s29], $0x1000, s30, s29, $0x38;
	[tilespmem:$0x12000] =	vst v63  }
0xa9: {  	_ =	swait.ge [sflag:s9], $0x1000  }
0xaa: {  	[sflag:s9] =	ssyncset.done $0x0  }
0xab: {  	s19 =	sand.u32 $0x7, s22;
	[sflag:s9] =	ssyncadd.s32 $0xFFFFF000  }
0xac: {  	s0 =	sshll.u32 s19, $0x9;
	_ =	swait.ge [sflag:s5], $0x4000  }
0xad: {  	s0 =	sadd.s32 $0x0, s0;
	[sflag:s5] =	ssyncset.done $0x0  }
0xae: {  	s21 =	sor.u32 $0x70, s0;
	[sflag:s5] =	ssyncadd.s32 $0xFFFFC000  }
0xaf: {  	v2 =	vld [tilespmem:s21+$0x1000]  }
0xb0: {  	v0 =	vld [tilespmem:s21+$0x6000];
	_ =	sdelay $0x4  }
0xb1: {  	v0 =	vadd.f32 v0, v2;
	_ =	sdelay $0x1  }
0xb2: {  	s23 =	sor.u32 $0x1070, s0;
	[tilespmem:s21+$0xE000] =	vst v0  }
0xb3: {  	v0 =	vld [tilespmem:s23+$0x6000];
	_ =	sdelay $0x4  }
0xb4: {  	v0 =	vadd.f32 v0, v2;
	_ =	sdelay $0x1  }
0xb5: {  	s0 =	sor.u32 $0x2070, s0;
	[tilespmem:s23+$0xE000] =	vst v0  }
0xb6: {  	v0 =	vld [tilespmem:s0+$0x6000];
	_ =	sdelay $0x4  }
0xb7: {  	v0 =	vadd.f32 v0, v2  }
0xb8: {  	s25 =	sor.u32 s22, s22  }
0xb9: {  	s26 =	sand.u32 $0x180, s22;
	s28 =	sand.u32 $0xE00, s22;
	s1 =	sor.u32 $0x3070, s25;
	[tilespmem:s0+$0xE000] =	vst v0  }
0xba: {  	s0 =	sor.u32 s26, s28;
	v3 =	vld [tilespmem:s1+$0x6000]  }
0xbb: {  	v0 =	vld [tilespmem:s0+$0x1000]  }
0xbc: {  	v4 =	vld [tilespmem:s0+$0x6000]  }
0xbd: {  	v6 =	vld [tilespmem:s0+$0x7000]  }
0xbe: {  	v7 =	vld [tilespmem:s0+$0x8000]  }
0xbf: {  	v1 =	vld [tilespmem:s0+$0x1010]  }
0xc0: {  	s31 =	sand.u32 $0xFFFFFF80, s22;
	v2 =	vadd.f32 v3, v2;
	v3 =	vld [tilespmem:s0+$0x6010]  }
0xc1: {  	s25 =	simm.s32 $0x0;
	s2 =	sadd.s32 $0x0, s31;
	v5 =	vld [tilespmem:s0+$0x7010];
	v8 =	vadd.f32 v4, v0  }
0xc2: {  	s4 =	sor.u32 $0x3040, s2;
	s3 =	sor.u32 $0x3050, s2;
	s6 =	sor.u32 $0x3060, s2;
	v6 =	vadd.f32 v6, v0;
	v4 =	vld [tilespmem:s0+$0x8010];
	[tilespmem:s1+$0xE000] =	vst v2  }
0xc3: {  	s7 =	simm.s32 $0x1;
	s8 =	sor.u32 $0x3020, s2;
	s11 =	sor.u32 $0x3030, s2;
	v7 =	vadd.f32 v7, v0;
	[tilespmem:s0+$0xE000] =	vst v8;
	v2 =	vld [tilespmem:s0+$0x1020]  }
0xc4: {  	s12 =	simm.s32 $0x0;
	s14 =	sor.u32 $0x3010, s2;
	s21 =	sor.u32 $0x3000, s2;
	[tilespmem:s0+$0xF000] =	vst v6;
	v6 =	vld [tilespmem:s0+$0x6020]  }
.LBB2_4:
0xc5: {  	s1 =	sand.u32 $0x7, s7;
	[tilespmem:s0+$0x10000] =	vst v7;
	v3 =	vadd.f32 v3, v1;
	v7 =	vld [tilespmem:s0+$0x7020]  }
0xc6: {  	s25 =	sadd.s32 $0x8, s25;
	s22 =	sadd.s32 $0x10, s22;
	s1 =	sshll.u32 s1, $0x9;
	v5 =	vadd.f32 v5, v1;
	v8 =	vld [tilespmem:s0+$0x8020]  }
0xc7: {  	s13 =	sand.u32 $0x180, s22;
	p0 =	slt.u32 s25, $0xF8;
	s19 =	sadd.s32 s1, s22;
	[tilespmem:s0+$0xE010] =	vst v3;
	v4 =	vadd.f32 v4, v1;
	v9 =	vld [tilespmem:s0+$0x1030]  }
0xc8: {  	s15 =	sand.u32 $0xFFFFFF80, s22;
	s1 =	sor.u32 $0x70, s19;
	[tilespmem:s0+$0xF010] =	vst v5;
	v5 =	vld [tilespmem:s0+$0x6030]  }
0xc9: {  	v3 =	vld [tilespmem:s1+$0x1000];
	[tilespmem:s0+$0x10010] =	vst v4;
	v4 =	vadd.f32 v6, v2  }
0xca: {  	v6 =	vld [tilespmem:s1+$0x6000];
	v7 =	vadd.f32 v7, v2  }
0xcb: {  	[tilespmem:s0+$0xE020] =	vst v4;
	v4 =	vadd.f32 v8, v2;
	v8 =	vld [tilespmem:s0+$0x7030]  }
0xcc: {  	[tilespmem:s0+$0xF020] =	vst v7;
	v7 =	vld [tilespmem:s0+$0x8030]  }
0xcd: {  	[tilespmem:s0+$0x10020] =	vst v4;
	v4 =	vadd.f32 v5, v9;
	v5 =	vld [tilespmem:s0+$0x1040]  }
0xce: {  	v10 =	vld [tilespmem:s0+$0x6040]  }
0xcf: {  	v6 =	vadd.f32 v6, v3;
	[tilespmem:s0+$0xE030] =	vst v4;
	v4 =	vld [tilespmem:s0+$0x7040]  }
0xd0: {  	v8 =	vadd.f32 v8, v9;
	v11 =	vld [tilespmem:s0+$0x8040]  }
0xd1: {  	[tilespmem:s1+$0xE000] =	vst v6;
	s1 =	sor.u32 $0x1070, s19;
	v6 =	vadd.f32 v7, v9;
	v7 =	vld [tilespmem:s0+$0x1050]  }
0xd2: {  	v12 =	vld [tilespmem:s1+$0x6000];
	[tilespmem:s0+$0xF030] =	vst v8  }
0xd3: {  	[tilespmem:s0+$0x10030] =	vst v6;
	v6 =	vadd.f32 v10, v5;
	v8 =	vld [tilespmem:s0+$0x6050]  }
0xd4: {  	v4 =	vadd.f32 v4, v5;
	v10 =	vld [tilespmem:s0+$0x7050]  }
0xd5: {  	[tilespmem:s0+$0xE040] =	vst v6;
	v6 =	vadd.f32 v11, v5;
	v11 =	vld [tilespmem:s0+$0x8050]  }
0xd6: {  	[tilespmem:s0+$0xF040] =	vst v4;
	v4 =	vld [tilespmem:s0+$0x1060]  }
0xd7: {  	v12 =	vadd.f32 v12, v3;
	[tilespmem:s0+$0x10040] =	vst v6;
	v6 =	vld [tilespmem:s0+$0x6060]  }
0xd8: {  	v8 =	vadd.f32 v8, v7;
	v13 =	vld [tilespmem:s0+$0x7060]  }
0xd9: {  	[tilespmem:s1+$0xE000] =	vst v12;
	s1 =	sor.u32 $0x2070, s19;
	v10 =	vadd.f32 v10, v7;
	v12 =	vld [tilespmem:s0+$0x8060]  }
0xda: {  	v14 =	vld [tilespmem:s1+$0x6000];
	[tilespmem:s0+$0xE050] =	vst v8;
	v8 =	vadd.f32 v11, v7  }
0xdb: {  	v11 =	vld [tilespmem:s21+$0x6000];
	[tilespmem:s0+$0xF050] =	vst v10  }
0xdc: {  	v10 =	vld [tilespmem:s14+$0x6000];
	[tilespmem:s0+$0x10050] =	vst v8;
	v6 =	vadd.f32 v6, v4  }
0xdd: {  	v8 =	vld [tilespmem:s8+$0x6000];
	v13 =	vadd.f32 v13, v4  }
0xde: {  	v15 =	vld [tilespmem:s11+$0x6000];
	[tilespmem:s0+$0xE060] =	vst v6;
	v6 =	vadd.f32 v12, v4  }
0xdf: {  	s12 =	sadd.s32 $0x200, s12;
	v12 =	vadd.f32 v14, v3;
	v14 =	vld [tilespmem:s4+$0x6000];
	[tilespmem:s0+$0xF060] =	vst v13  }
0xe0: {  	s2 =	sand.u32 $0xE00, s12;
	s15 =	sadd.s32 s15, s12;
	s19 =	sor.u32 s12, s22;
	v0 =	vadd.f32 v11, v0;
	v11 =	vld [tilespmem:s3+$0x6000];
	[tilespmem:s0+$0x10060] =	vst v6  }
0xe1: {  	s0 =	sor.u32 s13, s2;
	s2 =	sor.u32 $0x3000, s15;
	[tilespmem:s1+$0xE000] =	vst v12;
	s1 =	sor.u32 $0x3070, s19;
	v1 =	vadd.f32 v10, v1;
	v6 =	vld [tilespmem:s6+$0x6000]  }
0xe2: {  	s26 =	sor.u32 $0x3030, s15;
	s13 =	sor.u32 $0x3010, s15;
	s19 =	sor.u32 $0x3020, s15;
	v10 =	vld [tilespmem:s1+$0x6000];
	[tilespmem:s21+$0xE000] =	vst v0;
	v2 =	vadd.f32 v8, v2  }
0xe3: {  	s28 =	sor.u32 $0x3040, s15;
	s31 =	sor.u32 $0x3050, s15;
	s15 =	sor.u32 $0x3060, s15;
	v0 =	vld [tilespmem:s0+$0x1000];
	[tilespmem:s14+$0xE000] =	vst v1;
	v1 =	vadd.f32 v15, v9  }
0xe4: {  	s21 =	smov.u32 s2;
	s14 =	smov.u32 s13;
	v8 =	vld [tilespmem:s0+$0x6000];
	[tilespmem:s8+$0xE000] =	vst v2;
	v2 =	vadd.f32 v14, v5;
	s8 =	smov.u32 s19  }
0xe5: {  	v9 =	vld [tilespmem:s0+$0x7000];
	[tilespmem:s11+$0xE000] =	vst v1;
	v5 =	vadd.f32 v11, v7;
	s11 =	smov.u32 s26  }
0xe6: {  	v7 =	vld [tilespmem:s0+$0x8000];
	[tilespmem:s4+$0xE000] =	vst v2;
	v2 =	vadd.f32 v6, v4;
	s4 =	smov.u32 s28  }
0xe7: {  	v1 =	vld [tilespmem:s0+$0x1010];
	v4 =	vadd.f32 v10, v3;
	[tilespmem:s3+$0xE000] =	vst v5;
	s3 =	smov.u32 s31  }
.Ltmp1:
0xe8: {  	v3 =	vld [tilespmem:s0+$0x6010];
	[tilespmem:s6+$0xE000] =	vst v2;
	s6 =	smov.u32 s15;
	(pc) =	sbr.rel @p0 .LBB2_4-.Ltmp1, $4  }
0xe9: {  	v2 =	vadd.f32 v8, v0;
	v5 =	vld [tilespmem:s0+$0x7010];
	[tilespmem:s1+$0xE000] =	vst v4  }
0xea: {  	v6 =	vadd.f32 v9, v0;
	v4 =	vld [tilespmem:s0+$0x8010]  }
0xeb: {  	[tilespmem:s0+$0xE000] =	vst v2;
	v7 =	vadd.f32 v7, v0;
	v2 =	vld [tilespmem:s0+$0x1020]  }
0xec: {  	s7 =	sadd.s32 $0x1, s7;
	[tilespmem:s0+$0xF000] =	vst v6;
	v6 =	vld [tilespmem:s0+$0x6020]  }
0xed: {  	v8 =	vld [tilespmem:s0+$0x7020]  }
0xee: {  	v9 =	vld [tilespmem:s0+$0x8020]  }
0xef: {  	v10 =	vld [tilespmem:s0+$0x1030]  }
0xf0: {  	v11 =	vld [tilespmem:s0+$0x6030]  }
0xf1: {  	v12 =	vld [tilespmem:s0+$0x7030]  }
0xf2: {  	v3 =	vadd.f32 v3, v1;
	v13 =	vld [tilespmem:s0+$0x8030]  }
0xf3: {  	[tilespmem:s0+$0x10000] =	vst v7;
	v26 =	vld [tilespmem:s0+$0x1040];
	v5 =	vadd.f32 v5, v1  }
0xf4: {  	v28 =	vld [tilespmem:s0+$0x6040];
	[tilespmem:s0+$0xE010] =	vst v3;
	v27 =	vadd.f32 v4, v1  }
0xf5: {  	v30 =	vld [tilespmem:s0+$0x7040];
	[tilespmem:s0+$0xF010] =	vst v5;
	v29 =	vadd.f32 v6, v2  }
0xf6: {  	v32 =	vld [tilespmem:s0+$0x8040];
	[tilespmem:s0+$0x10010] =	vst v27;
	v31 =	vadd.f32 v8, v2  }
0xf7: {  	v34 =	vld [tilespmem:s0+$0x1050];
	v33 =	vadd.f32 v9, v2;
	[tilespmem:s0+$0xE020] =	vst v29  }
0xf8: {  	v36 =	vld [tilespmem:s0+$0x6050];
	v35 =	vadd.f32 v11, v10;
	[tilespmem:s0+$0xF020] =	vst v31  }
0xf9: {  	v38 =	vld [tilespmem:s0+$0x7050];
	v37 =	vadd.f32 v12, v10;
	[tilespmem:s0+$0x10020] =	vst v33  }
0xfa: {  	v40 =	vld [tilespmem:s0+$0x8050];
	v39 =	vadd.f32 v13, v10;
	[tilespmem:s0+$0xE030] =	vst v35  }
0xfb: {  	v41 =	vld [tilespmem:s0+$0x1060];
	v4 =	vadd.f32 v28, v26;
	[tilespmem:s0+$0xF030] =	vst v37  }
0xfc: {  	v43 =	vld [tilespmem:s0+$0x6060];
	v42 =	vadd.f32 v30, v26;
	[tilespmem:s0+$0x10030] =	vst v39  }
0xfd: {  	v45 =	vld [tilespmem:s0+$0x7060];
	v44 =	vadd.f32 v32, v26;
	[tilespmem:s0+$0xE040] =	vst v4  }
0xfe: {  	v47 =	vld [tilespmem:s0+$0x8060];
	v46 =	vadd.f32 v36, v34;
	[tilespmem:s0+$0xF040] =	vst v42  }
0xff: {  	v48 =	vadd.f32 v38, v34;
	[tilespmem:s0+$0x10040] =	vst v44  }
0x100: {  	v50 =	vld [tilespmem:s21+$0x6000];
	v49 =	vadd.f32 v40, v34;
	[tilespmem:s0+$0xE050] =	vst v46  }
0x101: {  	v51 =	vld [tilespmem:s14+$0x6000];
	v6 =	vadd.f32 v43, v41;
	[tilespmem:s0+$0xF050] =	vst v48  }
0x102: {  	v8 =	vadd.f32 v45, v41;
	[tilespmem:s0+$0x10050] =	vst v49;
	v52 =	vld [tilespmem:s8+$0x6000]  }
0x103: {  	v54 =	vadd.f32 v47, v41;
	[tilespmem:s0+$0xE060] =	vst v6;
	v53 =	vld [tilespmem:s11+$0x6000]  }
0x104: {  	[tilespmem:s0+$0xF060] =	vst v8;
	v55 =	vld [tilespmem:s4+$0x6000]  }
0x105: {  	v0 =	vadd.f32 v50, v0;
	[tilespmem:s0+$0x10060] =	vst v54;
	v56 =	vld [tilespmem:s3+$0x6000]  }
0x106: {  	v58 =	vld [tilespmem:s6+$0x6000];
	v57 =	vadd.f32 v51, v1  }
0x107: {  	[tilespmem:s21+$0xE000] =	vst v0;
	v59 =	vadd.f32 v52, v2  }
0x108: {  	[tilespmem:s14+$0xE000] =	vst v57;
	v60 =	vadd.f32 v53, v10  }
0x109: {  	v61 =	vadd.f32 v55, v26;
	[tilespmem:s8+$0xE000] =	vst v59  }
0x10a: {  	v62 =	vadd.f32 v56, v34;
	[tilespmem:s11+$0xE000] =	vst v60  }
0x10b: {  	v63 =	vadd.f32 v58, v41;
	[tilespmem:s4+$0xE000] =	vst v61  }
0x10c: {  	[tilespmem:s3+$0xE000] =	vst v62  }
0x10d: {  	[tilespmem:s6+$0xE000] =	vst v63  }
0x10e: {  	s8 =	simm.s32 $0xE000;
	s1 =	rddreg [dreg:$0xb]  }
0x10f: {  	[hbm4b:s1+s29] =	stream.strided.scatter [tilespmem:s8], [sflag:$0x6], $0x1000, s30, s29, $0x38;
	[tilespmem:$0x12000] =	vst v63  }
0x110: {  	s2 =	simm.s32 $0xF000;
	s11 =	sadd.s32 $0x100000, s1  }
0x111: {  	[hbm4b:s11+s29] =	stream.strided.scatter [tilespmem:s2], [sflag:$0x6], $0x1000, s30, s29, $0x38;
	[tilespmem:$0x12000] =	vst v63  }
0x112: {  	s13 =	simm.s32 $0x10000;
	s12 =	sadd.s32 $0x200000, s1  }
0x113: {  	[hbm4b:s12+s29] =	stream.strided.scatter [tilespmem:s13], [sflag:$0x6], $0x1000, s30, s29, $0x38;
	[tilespmem:$0x12000] =	vst v63  }
0x114: {  	s15 =	simm.s32 $0x11000;
	s14 =	sadd.s32 $0x300000, s1  }
0x115: {  	[hbm4b:s14+s29] =	stream.strided.scatter [tilespmem:s15], [sflag:$0x6], $0x1000, s30, s29, $0x38;
	[tilespmem:$0x12000] =	vst v63  }
0x116: {  	s17 =	simm.s32 $0x1000;
	s16 =	rddreg [dreg:$0xc]  }
0x117: {  	[tilespmem:s17], [sflag:$0x2] =	stream.strided.gather [hbm4b:s16+s29], $0x1000, s30, s29, $0x38;
	[tilespmem:$0x12000] =	vst v63  }
0x118: {  	s19 =	simm.s32 $0x6000;
	s18 =	rddreg [dreg:$0xd]  }
0x119: {  	[tilespmem:s19], [sflag:$0x4] =	stream.strided.gather [hbm4b:s18+s29], $0x1000, s30, s29, $0x38;
	[tilespmem:$0x12000] =	vst v63  }
0x11a: {  	s22 =	simm.s32 $0x7000;
	s21 =	sadd.s32 $0x100000, s18  }
0x11b: {  	[tilespmem:s22], [sflag:$0x4] =	stream.strided.gather [hbm4b:s21+s29], $0x1000, s30, s29, $0x38;
	[tilespmem:$0x12000] =	vst v63  }
0x11c: {  	s25 =	simm.s32 $0x8000;
	s28 =	simm.s32 $0x9000;
	s23 =	sadd.s32 $0x200000, s18  }
0x11d: {  	[tilespmem:s25], [sflag:$0x4] =	stream.strided.gather [hbm4b:s23+s29], $0x1000, s30, s29, $0x38;
	[tilespmem:$0x12000] =	vst v63  }
0x11e: {  	s31 =	simm.s32 $0x0;
	s4 =	simm.s32 $0x0;
	s26 =	sadd.s32 $0x300000, s18  }
0x11f: {  	[tilespmem:s28], [sflag:$0x4] =	stream.strided.gather [hbm4b:s26+s29], $0x1000, s30, s29, $0x38;
	[tilespmem:$0x12000] =	vst v63  }
.LBB2_6:
0x120: {  	s0 =	simm.s32 $0x1  }
0x121: {  	_ =	swait.ge [sflag:s0], $0x1000  }
0x122: {  	[sflag:s0] =	ssyncset.done $0x0  }
0x123: {  	[sflag:s0] =	ssyncadd.s32 $0xFFFFF000  }
0x124: {  	_ =	swait.ge [sflag:s24], $0x4000  }
0x125: {  	[sflag:s24] =	ssyncset.done $0x0  }
0x126: {  	s23 =	sand.u32 $0x7, s4;
	[sflag:s24] =	ssyncadd.s32 $0xFFFFC000  }
0x127: {  	s0 =	sshll.u32 s23, $0x9;
	_ =	swait.ge [sflag:s20], $0x4000  }
0x128: {  	s0 =	sadd.s32 $0x0, s0;
	[sflag:s20] =	ssyncset.done $0x0  }
0x129: {  	s1 =	sor.u32 $0x70, s0;
	[sflag:s20] =	ssyncadd.s32 $0xFFFFC000  }
0x12a: {  	v2 =	vld [tilespmem:s1+$0x0]  }
0x12b: {  	v0 =	vld [tilespmem:s1+$0x2000];
	_ =	sdelay $0x4  }
0x12c: {  	v0 =	vadd.f32 v0, v2;
	_ =	sdelay $0x1  }
0x12d: {  	s25 =	sor.u32 $0x1070, s0;
	[tilespmem:s1+$0xA000] =	vst v0  }
0x12e: {  	v0 =	vld [tilespmem:s25+$0x2000];
	_ =	sdelay $0x4  }
0x12f: {  	v0 =	vadd.f32 v0, v2;
	_ =	sdelay $0x1  }
0x130: {  	s0 =	sor.u32 $0x2070, s0;
	[tilespmem:s25+$0xA000] =	vst v0  }
0x131: {  	v0 =	vld [tilespmem:s0+$0x2000];
	_ =	sdelay $0x4  }
0x132: {  	v0 =	vadd.f32 v0, v2  }
0x133: {  	s26 =	sor.u32 s4, s4  }
0x134: {  	s2 =	sand.u32 $0x180, s4;
	s3 =	sand.u32 $0xE00, s4;
	s1 =	sor.u32 $0x3070, s26;
	[tilespmem:s0+$0xA000] =	vst v0  }
0x135: {  	s0 =	sor.u32 s2, s3;
	v3 =	vld [tilespmem:s1+$0x2000]  }
0x136: {  	v0 =	vld [tilespmem:s0+$0x0]  }
0x137: {  	v4 =	vld [tilespmem:s0+$0x2000]  }
0x138: {  	v6 =	vld [tilespmem:s0+$0x3000]  }
0x139: {  	v7 =	vld [tilespmem:s0+$0x4000]  }
0x13a: {  	v1 =	vld [tilespmem:s0+$0x10]  }
0x13b: {  	s28 =	sand.u32 $0xFFFFFF80, s4;
	v2 =	vadd.f32 v3, v2;
	v3 =	vld [tilespmem:s0+$0x2010]  }
0x13c: {  	s7 =	simm.s32 $0x1;
	s12 =	simm.s32 $0x0;
	s2 =	sadd.s32 $0x0, s28;
	v5 =	vld [tilespmem:s0+$0x3010];
	v8 =	vadd.f32 v4, v0  }
0x13d: {  	s26 =	simm.s32 $0x0;
	s25 =	simm.s32 $0x0;
	s22 =	sor.u32 $0x3000, s2;
	v6 =	vadd.f32 v6, v0;
	v4 =	vld [tilespmem:s0+$0x4010];
	[tilespmem:s1+$0xA000] =	vst v2  }
0x13e: {  	s21 =	sor.u32 $0x3010, s2;
	s14 =	sor.u32 $0x3020, s2;
	s8 =	sor.u32 $0x3030, s2;
	v7 =	vadd.f32 v7, v0;
	[tilespmem:s0+$0xA000] =	vst v8;
	v2 =	vld [tilespmem:s0+$0x20]  }
0x13f: {  	s11 =	sor.u32 $0x3040, s2;
	s6 =	sor.u32 $0x3050, s2;
	s3 =	sor.u32 $0x3060, s2;
	[tilespmem:s0+$0xB000] =	vst v6;
	v6 =	vld [tilespmem:s0+$0x2020]  }
.LBB2_7:
0x140: {  	s1 =	sand.u32 $0x7, s7;
	[tilespmem:s0+$0xC000] =	vst v7;
	v3 =	vadd.f32 v3, v1;
	v7 =	vld [tilespmem:s0+$0x3020]  }
0x141: {  	s25 =	sadd.s32 $0x8, s25;
	s26 =	sadd.s32 $0x10, s26;
	s1 =	sshll.u32 s1, $0x9;
	v5 =	vadd.f32 v5, v1;
	v8 =	vld [tilespmem:s0+$0x4020]  }
0x142: {  	s13 =	sand.u32 $0x180, s26;
	p0 =	slt.u32 s25, $0xF8;
	s19 =	sadd.s32 s1, s26;
	[tilespmem:s0+$0xA010] =	vst v3;
	v4 =	vadd.f32 v4, v1;
	v9 =	vld [tilespmem:s0+$0x30]  }
0x143: {  	s15 =	sand.u32 $0xFFFFFF80, s26;
	s1 =	sor.u32 $0x70, s19;
	[tilespmem:s0+$0xB010] =	vst v5;
	v5 =	vld [tilespmem:s0+$0x2030]  }
0x144: {  	v3 =	vld [tilespmem:s1+$0x0];
	[tilespmem:s0+$0xC010] =	vst v4;
	v4 =	vadd.f32 v6, v2  }
0x145: {  	v6 =	vld [tilespmem:s1+$0x2000];
	v7 =	vadd.f32 v7, v2  }
0x146: {  	[tilespmem:s0+$0xA020] =	vst v4;
	v4 =	vadd.f32 v8, v2;
	v8 =	vld [tilespmem:s0+$0x3030]  }
0x147: {  	[tilespmem:s0+$0xB020] =	vst v7;
	v7 =	vld [tilespmem:s0+$0x4030]  }
0x148: {  	[tilespmem:s0+$0xC020] =	vst v4;
	v4 =	vadd.f32 v5, v9;
	v5 =	vld [tilespmem:s0+$0x40]  }
0x149: {  	v10 =	vld [tilespmem:s0+$0x2040]  }
0x14a: {  	v6 =	vadd.f32 v6, v3;
	[tilespmem:s0+$0xA030] =	vst v4;
	v4 =	vld [tilespmem:s0+$0x3040]  }
0x14b: {  	v8 =	vadd.f32 v8, v9;
	v11 =	vld [tilespmem:s0+$0x4040]  }
0x14c: {  	[tilespmem:s1+$0xA000] =	vst v6;
	s1 =	sor.u32 $0x1070, s19;
	v6 =	vadd.f32 v7, v9;
	v7 =	vld [tilespmem:s0+$0x50]  }
0x14d: {  	v12 =	vld [tilespmem:s1+$0x2000];
	[tilespmem:s0+$0xB030] =	vst v8  }
0x14e: {  	[tilespmem:s0+$0xC030] =	vst v6;
	v6 =	vadd.f32 v10, v5;
	v8 =	vld [tilespmem:s0+$0x2050]  }
0x14f: {  	v4 =	vadd.f32 v4, v5;
	v10 =	vld [tilespmem:s0+$0x3050]  }
0x150: {  	[tilespmem:s0+$0xA040] =	vst v6;
	v6 =	vadd.f32 v11, v5;
	v11 =	vld [tilespmem:s0+$0x4050]  }
0x151: {  	[tilespmem:s0+$0xB040] =	vst v4;
	v4 =	vld [tilespmem:s0+$0x60]  }
0x152: {  	v12 =	vadd.f32 v12, v3;
	[tilespmem:s0+$0xC040] =	vst v6;
	v6 =	vld [tilespmem:s0+$0x2060]  }
0x153: {  	v8 =	vadd.f32 v8, v7;
	v13 =	vld [tilespmem:s0+$0x3060]  }
0x154: {  	[tilespmem:s1+$0xA000] =	vst v12;
	s1 =	sor.u32 $0x2070, s19;
	v10 =	vadd.f32 v10, v7;
	v12 =	vld [tilespmem:s0+$0x4060]  }
0x155: {  	v14 =	vld [tilespmem:s1+$0x2000];
	[tilespmem:s0+$0xA050] =	vst v8;
	v8 =	vadd.f32 v11, v7  }
0x156: {  	v11 =	vld [tilespmem:s22+$0x2000];
	[tilespmem:s0+$0xB050] =	vst v10  }
0x157: {  	v10 =	vld [tilespmem:s21+$0x2000];
	[tilespmem:s0+$0xC050] =	vst v8;
	v6 =	vadd.f32 v6, v4  }
0x158: {  	v8 =	vld [tilespmem:s14+$0x2000];
	v13 =	vadd.f32 v13, v4  }
0x159: {  	v15 =	vld [tilespmem:s8+$0x2000];
	[tilespmem:s0+$0xA060] =	vst v6;
	v6 =	vadd.f32 v12, v4  }
0x15a: {  	s12 =	sadd.s32 $0x200, s12;
	v12 =	vadd.f32 v14, v3;
	v14 =	vld [tilespmem:s11+$0x2000];
	[tilespmem:s0+$0xB060] =	vst v13  }
0x15b: {  	s2 =	sand.u32 $0xE00, s12;
	s15 =	sadd.s32 s15, s12;
	s19 =	sor.u32 s12, s26;
	v0 =	vadd.f32 v11, v0;
	v11 =	vld [tilespmem:s6+$0x2000];
	[tilespmem:s0+$0xC060] =	vst v6  }
0x15c: {  	s0 =	sor.u32 s13, s2;
	s2 =	sor.u32 $0x3000, s15;
	[tilespmem:s1+$0xA000] =	vst v12;
	s1 =	sor.u32 $0x3070, s19;
	v1 =	vadd.f32 v10, v1;
	v6 =	vld [tilespmem:s3+$0x2000]  }
0x15d: {  	s28 =	sor.u32 $0x3030, s15;
	s13 =	sor.u32 $0x3010, s15;
	s19 =	sor.u32 $0x3020, s15;
	v10 =	vld [tilespmem:s1+$0x2000];
	[tilespmem:s22+$0xA000] =	vst v0;
	v2 =	vadd.f32 v8, v2  }
0x15e: {  	s16 =	sor.u32 $0x3040, s15;
	s17 =	sor.u32 $0x3050, s15;
	s15 =	sor.u32 $0x3060, s15;
	v0 =	vld [tilespmem:s0+$0x0];
	[tilespmem:s21+$0xA000] =	vst v1;
	v1 =	vadd.f32 v15, v9  }
0x15f: {  	s22 =	smov.u32 s2;
	s21 =	smov.u32 s13;
	v8 =	vld [tilespmem:s0+$0x2000];
	[tilespmem:s14+$0xA000] =	vst v2;
	v2 =	vadd.f32 v14, v5;
	s14 =	smov.u32 s19  }
0x160: {  	v9 =	vld [tilespmem:s0+$0x3000];
	[tilespmem:s8+$0xA000] =	vst v1;
	v5 =	vadd.f32 v11, v7;
	s8 =	smov.u32 s28  }
0x161: {  	v7 =	vld [tilespmem:s0+$0x4000];
	[tilespmem:s11+$0xA000] =	vst v2;
	v2 =	vadd.f32 v6, v4;
	s11 =	smov.u32 s16  }
0x162: {  	v1 =	vld [tilespmem:s0+$0x10];
	v4 =	vadd.f32 v10, v3;
	[tilespmem:s6+$0xA000] =	vst v5;
	s6 =	smov.u32 s17  }
.Ltmp2:
0x163: {  	v3 =	vld [tilespmem:s0+$0x2010];
	[tilespmem:s3+$0xA000] =	vst v2;
	s3 =	smov.u32 s15;
	(pc) =	sbr.rel @p0 .LBB2_7-.Ltmp2, $4  }
0x164: {  	v2 =	vadd.f32 v8, v0;
	v5 =	vld [tilespmem:s0+$0x3010];
	[tilespmem:s1+$0xA000] =	vst v4  }
0x165: {  	v6 =	vadd.f32 v9, v0;
	v4 =	vld [tilespmem:s0+$0x4010]  }
0x166: {  	[tilespmem:s0+$0xA000] =	vst v2;
	v7 =	vadd.f32 v7, v0;
	v2 =	vld [tilespmem:s0+$0x20]  }
0x167: {  	s7 =	sadd.s32 $0x1, s7;
	[tilespmem:s0+$0xB000] =	vst v6;
	v6 =	vld [tilespmem:s0+$0x2020]  }
0x168: {  	v8 =	vld [tilespmem:s0+$0x3020]  }
0x169: {  	v9 =	vld [tilespmem:s0+$0x4020]  }
0x16a: {  	v10 =	vld [tilespmem:s0+$0x30]  }
0x16b: {  	v11 =	vld [tilespmem:s0+$0x2030]  }
0x16c: {  	v12 =	vld [tilespmem:s0+$0x3030];
	v3 =	vadd.f32 v3, v1  }
0x16d: {  	[tilespmem:s0+$0xC000] =	vst v7;
	v7 =	vld [tilespmem:s0+$0x40];
	v5 =	vadd.f32 v5, v1  }
0x16e: {  	[tilespmem:s0+$0xA010] =	vst v3;
	v3 =	vadd.f32 v4, v1;
	v4 =	vld [tilespmem:s0+$0x2040]  }
0x16f: {  	v13 =	vld [tilespmem:s0+$0x4030];
	[tilespmem:s0+$0xB010] =	vst v5;
	v5 =	vadd.f32 v6, v2  }
0x170: {  	v56 =	vld [tilespmem:s0+$0x50];
	[tilespmem:s0+$0xC010] =	vst v3;
	v3 =	vadd.f32 v8, v2  }
0x171: {  	v6 =	vld [tilespmem:s0+$0x3040];
	[tilespmem:s0+$0xA020] =	vst v5;
	v5 =	vadd.f32 v9, v2  }
0x172: {  	v8 =	vld [tilespmem:s0+$0x4040];
	[tilespmem:s0+$0xB020] =	vst v3;
	v3 =	vadd.f32 v11, v10  }
0x173: {  	v57 =	vld [tilespmem:s0+$0x2050];
	v4 =	vadd.f32 v4, v7;
	[tilespmem:s0+$0xC020] =	vst v5  }
0x174: {  	v58 =	vld [tilespmem:s0+$0x3050];
	[tilespmem:s0+$0xA030] =	vst v3;
	v3 =	vadd.f32 v13, v10  }
0x175: {  	v59 =	vld [tilespmem:s0+$0x4050];
	v5 =	vadd.f32 v12, v10;
	[tilespmem:s0+$0xA040] =	vst v4  }
0x176: {  	v61 =	vld [tilespmem:s22+$0x2000];
	[tilespmem:s0+$0xC030] =	vst v3;
	v3 =	vadd.f32 v6, v7  }
0x177: {  	[tilespmem:s0+$0xB030] =	vst v5;
	v5 =	vld [tilespmem:s0+$0x60];
	v4 =	vadd.f32 v8, v7  }
0x178: {  	v6 =	vld [tilespmem:s0+$0x2060];
	[tilespmem:s0+$0xB040] =	vst v3;
	v3 =	vadd.f32 v57, v56  }
0x179: {  	v8 =	vld [tilespmem:s0+$0x3060];
	[tilespmem:s0+$0xC040] =	vst v4;
	v4 =	vadd.f32 v58, v56  }
0x17a: {  	v60 =	vld [tilespmem:s0+$0x4060];
	[tilespmem:s0+$0xA050] =	vst v3;
	v3 =	vadd.f32 v59, v56  }
0x17b: {  	[tilespmem:s0+$0xB050] =	vst v4;
	v4 =	vld [tilespmem:s21+$0x2000]  }
0x17c: {  	v0 =	vadd.f32 v61, v0;
	[tilespmem:s0+$0xC050] =	vst v3;
	v3 =	vld [tilespmem:s14+$0x2000]  }
0x17d: {  	v62 =	vld [tilespmem:s8+$0x2000];
	v6 =	vadd.f32 v6, v5  }
0x17e: {  	[tilespmem:s22+$0xA000] =	vst v0;
	v63 =	vld [tilespmem:s11+$0x2000];
	v8 =	vadd.f32 v8, v5  }
0x17f: {  	[tilespmem:s0+$0xA060] =	vst v6;
	v6 =	vadd.f32 v60, v5  }
0x180: {  	[tilespmem:s0+$0xB060] =	vst v8;
	v1 =	vadd.f32 v4, v1  }
0x181: {  	v8 =	vld [tilespmem:s6+$0x2000];
	[tilespmem:s0+$0xC060] =	vst v6;
	v0 =	vadd.f32 v3, v2  }
0x182: {  	v4 =	vld [tilespmem:s3+$0x2000];
	[tilespmem:s21+$0xA000] =	vst v1;
	v1 =	vadd.f32 v62, v10  }
0x183: {  	[tilespmem:s14+$0xA000] =	vst v0;
	v0 =	vadd.f32 v63, v7  }
0x184: {  	[tilespmem:s8+$0xA000] =	vst v1  }
0x185: {  	[tilespmem:s11+$0xA000] =	vst v0  }
0x186: {  	s1 =	sshll.u32 s31, $0x3;
	v1 =	vadd.f32 v8, v56;
	s0 =	rddreg [dreg:$0xe]  }
0x187: {  	v0 =	vadd.f32 v4, v5;
	s0 =	sadd.s32 s1, s0  }
0x188: {  	s2 =	rddreg [dreg:$0x2];
	[tilespmem:s6+$0xA000] =	vst v1;
	s0 =	sshll.u32 s0, $0x7  }
0x189: {  	s19 =	simm.s32 $0xA000;
	s25 =	simm.s32 $0xC000;
	[tilespmem:s3+$0xA000] =	vst v0;
	s2 =	sadd.s32 s2, s0  }
0x18a: {  	[hbm4b:s2+s29] =	stream.strided.scatter [tilespmem:s19], [sflag:$0x5], $0x1000, s30, s29, $0x38;
	[tilespmem:$0x12000] =	vst v63  }
0x18b: {  	s22 =	simm.s32 $0xB000;
	s6 =	rddreg [dreg:$0xf];
	s21 =	sadd.s32 $0x100000, s2  }
0x18c: {  	[hbm4b:s21+s29] =	stream.strided.scatter [tilespmem:s22], [sflag:$0x5], $0x1000, s30, s29, $0x38;
	[tilespmem:$0x12000] =	vst v63  }
0x18d: {  	s26 =	simm.s32 $0xD000;
	s1 =	sadd.s32 s1, s6;
	s23 =	sadd.s32 $0x200000, s2  }
0x18e: {  	[hbm4b:s23+s29] =	stream.strided.scatter [tilespmem:s25], [sflag:$0x5], $0x1000, s30, s29, $0x38;
	[tilespmem:$0x12000] =	vst v63  }
0x18f: {  	s7 =	rddreg [dreg:$0x1];
	s2 =	sadd.s32 $0x300000, s2;
	s3 =	sshll.u32 s1, $0x7  }
0x190: {  	[hbm4b:s2+s29] =	stream.strided.scatter [tilespmem:s26], [sflag:$0x5], $0x1000, s30, s29, $0x38;
	[tilespmem:$0x12000] =	vst v63  }
0x191: {  	s8 =	rddreg [dreg:$0x0];
	s1 =	sadd.s32 s7, s3;
	s26 =	simm.s32 $0x0  }
0x192: {  	[tilespmem:s26], [sflag:$0x1] =	stream.strided.gather [hbm4b:s1+s29], $0x1000, s30, s29, $0x38;
	[tilespmem:$0x12000] =	vst v63  }
0x193: {  	s11 =	simm.s32 $0x2000;
	s1 =	sadd.s32 s8, s3  }
0x194: {  	[tilespmem:s11], [sflag:$0x3] =	stream.strided.gather [hbm4b:s1+s29], $0x1000, s30, s29, $0x38;
	[tilespmem:$0x12000] =	vst v63  }
0x195: {  	s13 =	simm.s32 $0x3000;
	s12 =	sadd.s32 $0x100000, s1  }
0x196: {  	[tilespmem:s13], [sflag:$0x3] =	stream.strided.gather [hbm4b:s12+s29], $0x1000, s30, s29, $0x38;
	[tilespmem:$0x12000] =	vst v63  }
0x197: {  	s15 =	simm.s32 $0x4000;
	s14 =	sadd.s32 $0x200000, s1  }
0x198: {  	[tilespmem:s15], [sflag:$0x3] =	stream.strided.gather [hbm4b:s14+s29], $0x1000, s30, s29, $0x38;
	[tilespmem:$0x12000] =	vst v63  }
0x199: {  	s16 =	simm.s32 $0x5000;
	s1 =	sadd.s32 $0x300000, s1  }
0x19a: {  	[tilespmem:s16], [sflag:$0x3] =	stream.strided.gather [hbm4b:s1+s29], $0x1000, s30, s29, $0x38;
	[tilespmem:$0x12000] =	vst v63  }
0x19b: {  	_ =	swait.ge [sflag:s9], $0x1000  }
0x19c: {  	[sflag:s9] =	ssyncset.done $0x0  }
0x19d: {  	[sflag:s9] =	ssyncadd.s32 $0xFFFFF000  }
0x19e: {  	_ =	swait.ge [sflag:s5], $0x4000  }
0x19f: {  	[sflag:s5] =	ssyncset.done $0x0  }
0x1a0: {  	s17 =	sand.u32 $0x7, s26;
	[sflag:s5] =	ssyncadd.s32 $0xFFFFC000  }
0x1a1: {  	s1 =	sshll.u32 s17, $0x9;
	_ =	swait.ge [sflag:s10], $0x4000  }
0x1a2: {  	s1 =	sadd.s32 $0x0, s1;
	[sflag:s10] =	ssyncset.done $0x0  }
0x1a3: {  	s18 =	sor.u32 $0x70, s1;
	[sflag:s10] =	ssyncadd.s32 $0xFFFFC000  }
0x1a4: {  	v2 =	vld [tilespmem:s18+$0x1000]  }
0x1a5: {  	v0 =	vld [tilespmem:s18+$0x6000];
	_ =	sdelay $0x4  }
0x1a6: {  	v0 =	vadd.f32 v0, v2;
	_ =	sdelay $0x1  }
0x1a7: {  	s19 =	sor.u32 $0x1070, s1;
	[tilespmem:s18+$0xE000] =	vst v0  }
0x1a8: {  	v0 =	vld [tilespmem:s19+$0x6000];
	_ =	sdelay $0x4  }
0x1a9: {  	v0 =	vadd.f32 v0, v2;
	_ =	sdelay $0x1  }
0x1aa: {  	s1 =	sor.u32 $0x2070, s1;
	[tilespmem:s19+$0xE000] =	vst v0  }
0x1ab: {  	v0 =	vld [tilespmem:s1+$0x6000];
	_ =	sdelay $0x3  }
0x1ac: {  	s22 =	sand.u32 $0x180, s26;
	s7 =	sand.u32 $0xE00, s26  }
0x1ad: {  	s6 =	sor.u32 s22, s7;
	v0 =	vadd.f32 v0, v2  }
0x1ae: {  	s21 =	sor.u32 s26, s26;
	v4 =	vld [tilespmem:s6+$0x6000]  }
0x1af: {  	s23 =	sor.u32 $0x3070, s21;
	[tilespmem:s1+$0xE000] =	vst v0;
	v0 =	vld [tilespmem:s6+$0x1000]  }
0x1b0: {  	v3 =	vld [tilespmem:s23+$0x6000]  }
0x1b1: {  	v6 =	vld [tilespmem:s6+$0x7000];
	_ =	sdelay $0x1  }
0x1b2: {  	v7 =	vld [tilespmem:s6+$0x8000]  }
0x1b3: {  	v1 =	vld [tilespmem:s6+$0x1010]  }
0x1b4: {  	s25 =	sand.u32 $0xFFFFFF80, s26;
	v8 =	vadd.f32 v4, v0;
	v2 =	vadd.f32 v3, v2;
	v3 =	vld [tilespmem:s6+$0x6010]  }
0x1b5: {  	s7 =	simm.s32 $0x0;
	s2 =	sadd.s32 $0x0, s25;
	v5 =	vld [tilespmem:s6+$0x7010];
	v6 =	vadd.f32 v6, v0  }
0x1b6: {  	s28 =	sor.u32 $0x3000, s2;
	s25 =	sor.u32 $0x3010, s2;
	s21 =	sor.u32 $0x3020, s2;
	v4 =	vld [tilespmem:s6+$0x8010];
	[tilespmem:s6+$0xE000] =	vst v8  }
0x1b7: {  	s22 =	sor.u32 $0x3030, s2;
	s8 =	sor.u32 $0x3050, s2;
	s11 =	sor.u32 $0x3060, s2;
	v7 =	vadd.f32 v7, v0;
	[tilespmem:s6+$0xF000] =	vst v6;
	v6 =	vld [tilespmem:s6+$0x6020]  }
0x1b8: {  	s12 =	simm.s32 $0x1;
	s13 =	simm.s32 $0x0;
	s14 =	sor.u32 $0x3040, s2;
	[tilespmem:s23+$0xE000] =	vst v2;
	v2 =	vld [tilespmem:s6+$0x1020]  }
.LBB2_9:
0x1b9: {  	s1 =	sand.u32 $0x7, s12;
	[tilespmem:s6+$0x10000] =	vst v7;
	v3 =	vadd.f32 v3, v1;
	v7 =	vld [tilespmem:s6+$0x7020]  }
0x1ba: {  	s7 =	sadd.s32 $0x8, s7;
	s26 =	sadd.s32 $0x10, s26;
	s1 =	sshll.u32 s1, $0x9;
	v5 =	vadd.f32 v5, v1;
	v8 =	vld [tilespmem:s6+$0x8020]  }
0x1bb: {  	s15 =	sand.u32 $0x180, s26;
	p0 =	slt.u32 s7, $0xF8;
	s1 =	sadd.s32 s1, s26;
	[tilespmem:s6+$0xE010] =	vst v3;
	v4 =	vadd.f32 v4, v1;
	v9 =	vld [tilespmem:s6+$0x1030]  }
0x1bc: {  	s19 =	sand.u32 $0xFFFFFF80, s26;
	s2 =	sor.u32 $0x70, s1;
	[tilespmem:s6+$0xF010] =	vst v5;
	v5 =	vld [tilespmem:s6+$0x6030]  }
0x1bd: {  	v3 =	vld [tilespmem:s2+$0x1000];
	[tilespmem:s6+$0x10010] =	vst v4;
	v4 =	vadd.f32 v6, v2  }
0x1be: {  	v6 =	vld [tilespmem:s2+$0x6000];
	v7 =	vadd.f32 v7, v2  }
0x1bf: {  	[tilespmem:s6+$0xE020] =	vst v4;
	v4 =	vadd.f32 v8, v2;
	v8 =	vld [tilespmem:s6+$0x7030]  }
0x1c0: {  	[tilespmem:s6+$0xF020] =	vst v7;
	v7 =	vld [tilespmem:s6+$0x8030]  }
0x1c1: {  	[tilespmem:s6+$0x10020] =	vst v4;
	v4 =	vadd.f32 v5, v9;
	v5 =	vld [tilespmem:s6+$0x1040]  }
0x1c2: {  	v10 =	vld [tilespmem:s6+$0x6040]  }
0x1c3: {  	v6 =	vadd.f32 v6, v3;
	[tilespmem:s6+$0xE030] =	vst v4;
	v4 =	vld [tilespmem:s6+$0x7040]  }
0x1c4: {  	v8 =	vadd.f32 v8, v9;
	v11 =	vld [tilespmem:s6+$0x8040]  }
0x1c5: {  	[tilespmem:s2+$0xE000] =	vst v6;
	s2 =	sor.u32 $0x1070, s1;
	v6 =	vadd.f32 v7, v9;
	v7 =	vld [tilespmem:s6+$0x1050]  }
0x1c6: {  	v12 =	vld [tilespmem:s2+$0x6000];
	[tilespmem:s6+$0xF030] =	vst v8  }
0x1c7: {  	[tilespmem:s6+$0x10030] =	vst v6;
	v6 =	vadd.f32 v10, v5;
	v8 =	vld [tilespmem:s6+$0x6050]  }
0x1c8: {  	v4 =	vadd.f32 v4, v5;
	v10 =	vld [tilespmem:s6+$0x7050]  }
0x1c9: {  	[tilespmem:s6+$0xE040] =	vst v6;
	v6 =	vadd.f32 v11, v5;
	v11 =	vld [tilespmem:s6+$0x8050]  }
0x1ca: {  	[tilespmem:s6+$0xF040] =	vst v4;
	v4 =	vld [tilespmem:s6+$0x1060]  }
0x1cb: {  	v12 =	vadd.f32 v12, v3;
	[tilespmem:s6+$0x10040] =	vst v6;
	v6 =	vld [tilespmem:s6+$0x6060]  }
0x1cc: {  	v8 =	vadd.f32 v8, v7;
	v13 =	vld [tilespmem:s6+$0x7060]  }
0x1cd: {  	s1 =	sor.u32 $0x2070, s1;
	[tilespmem:s2+$0xE000] =	vst v12;
	v10 =	vadd.f32 v10, v7;
	v12 =	vld [tilespmem:s6+$0x8060]  }
0x1ce: {  	v14 =	vld [tilespmem:s1+$0x6000];
	[tilespmem:s6+$0xE050] =	vst v8;
	v8 =	vadd.f32 v11, v7  }
0x1cf: {  	v11 =	vld [tilespmem:s28+$0x6000];
	[tilespmem:s6+$0xF050] =	vst v10  }
0x1d0: {  	v10 =	vld [tilespmem:s25+$0x6000];
	[tilespmem:s6+$0x10050] =	vst v8;
	v6 =	vadd.f32 v6, v4  }
0x1d1: {  	v8 =	vld [tilespmem:s21+$0x6000];
	v13 =	vadd.f32 v13, v4  }
0x1d2: {  	v15 =	vld [tilespmem:s22+$0x6000];
	[tilespmem:s6+$0xE060] =	vst v6;
	v6 =	vadd.f32 v12, v4  }
0x1d3: {  	s13 =	sadd.s32 $0x200, s13;
	v12 =	vadd.f32 v14, v3;
	v14 =	vld [tilespmem:s14+$0x6000];
	[tilespmem:s6+$0xF060] =	vst v13  }
0x1d4: {  	s17 =	sor.u32 s13, s26;
	s16 =	sadd.s32 s19, s13;
	s2 =	sand.u32 $0xE00, s13;
	v0 =	vadd.f32 v11, v0;
	v11 =	vld [tilespmem:s8+$0x6000];
	[tilespmem:s6+$0x10060] =	vst v6  }
0x1d5: {  	s6 =	sor.u32 s15, s2;
	s2 =	sor.u32 $0x3000, s16;
	[tilespmem:s1+$0xE000] =	vst v12;
	s1 =	sor.u32 $0x3070, s17;
	v1 =	vadd.f32 v10, v1;
	v6 =	vld [tilespmem:s11+$0x6000]  }
0x1d6: {  	s19 =	sor.u32 $0x3030, s16;
	s15 =	sor.u32 $0x3010, s16;
	s17 =	sor.u32 $0x3020, s16;
	v10 =	vld [tilespmem:s1+$0x6000];
	[tilespmem:s28+$0xE000] =	vst v0;
	v2 =	vadd.f32 v8, v2  }
0x1d7: {  	s18 =	sor.u32 $0x3040, s16;
	s23 =	sor.u32 $0x3050, s16;
	s16 =	sor.u32 $0x3060, s16;
	v0 =	vld [tilespmem:s6+$0x1000];
	[tilespmem:s25+$0xE000] =	vst v1;
	v1 =	vadd.f32 v15, v9  }
0x1d8: {  	s28 =	smov.u32 s2;
	s25 =	smov.u32 s15;
	v8 =	vld [tilespmem:s6+$0x6000];
	[tilespmem:s21+$0xE000] =	vst v2;
	v2 =	vadd.f32 v14, v5;
	s21 =	smov.u32 s17  }
0x1d9: {  	v9 =	vld [tilespmem:s6+$0x7000];
	[tilespmem:s22+$0xE000] =	vst v1;
	v5 =	vadd.f32 v11, v7;
	s22 =	smov.u32 s19  }
0x1da: {  	v7 =	vld [tilespmem:s6+$0x8000];
	[tilespmem:s14+$0xE000] =	vst v2;
	v2 =	vadd.f32 v6, v4;
	s14 =	smov.u32 s18  }
0x1db: {  	v1 =	vld [tilespmem:s6+$0x1010];
	v4 =	vadd.f32 v10, v3;
	[tilespmem:s8+$0xE000] =	vst v5;
	s8 =	smov.u32 s23  }
.Ltmp3:
0x1dc: {  	v3 =	vld [tilespmem:s6+$0x6010];
	[tilespmem:s11+$0xE000] =	vst v2;
	s11 =	smov.u32 s16;
	(pc) =	sbr.rel @p0 .LBB2_9-.Ltmp3, $4  }
0x1dd: {  	v2 =	vadd.f32 v8, v0;
	v5 =	vld [tilespmem:s6+$0x7010];
	[tilespmem:s1+$0xE000] =	vst v4  }
0x1de: {  	v6 =	vadd.f32 v9, v0;
	v4 =	vld [tilespmem:s6+$0x8010]  }
0x1df: {  	[tilespmem:s6+$0xE000] =	vst v2;
	v7 =	vadd.f32 v7, v0;
	v2 =	vld [tilespmem:s6+$0x1020]  }
0x1e0: {  	s12 =	sadd.s32 $0x1, s12;
	[tilespmem:s6+$0xF000] =	vst v6;
	v6 =	vld [tilespmem:s6+$0x6020]  }
0x1e1: {  	v8 =	vld [tilespmem:s6+$0x7020]  }
0x1e2: {  	v9 =	vld [tilespmem:s6+$0x8020]  }
0x1e3: {  	v10 =	vld [tilespmem:s6+$0x1030]  }
0x1e4: {  	v11 =	vld [tilespmem:s6+$0x6030]  }
0x1e5: {  	v12 =	vld [tilespmem:s6+$0x7030]  }
0x1e6: {  	v3 =	vadd.f32 v3, v1;
	v13 =	vld [tilespmem:s6+$0x8030]  }
0x1e7: {  	[tilespmem:s6+$0x10000] =	vst v7;
	v26 =	vld [tilespmem:s6+$0x1040];
	v5 =	vadd.f32 v5, v1  }
0x1e8: {  	v28 =	vld [tilespmem:s6+$0x6040];
	[tilespmem:s6+$0xE010] =	vst v3;
	v27 =	vadd.f32 v4, v1  }
0x1e9: {  	v30 =	vld [tilespmem:s6+$0x7040];
	[tilespmem:s6+$0xF010] =	vst v5;
	v29 =	vadd.f32 v6, v2  }
0x1ea: {  	v32 =	vld [tilespmem:s6+$0x8040];
	[tilespmem:s6+$0x10010] =	vst v27;
	v31 =	vadd.f32 v8, v2  }
0x1eb: {  	v34 =	vld [tilespmem:s6+$0x1050];
	v33 =	vadd.f32 v9, v2;
	[tilespmem:s6+$0xE020] =	vst v29  }
0x1ec: {  	v36 =	vld [tilespmem:s6+$0x6050];
	v35 =	vadd.f32 v11, v10;
	[tilespmem:s6+$0xF020] =	vst v31  }
0x1ed: {  	v38 =	vld [tilespmem:s6+$0x7050];
	v37 =	vadd.f32 v12, v10;
	[tilespmem:s6+$0x10020] =	vst v33  }
0x1ee: {  	v40 =	vld [tilespmem:s6+$0x8050];
	v39 =	vadd.f32 v13, v10;
	[tilespmem:s6+$0xE030] =	vst v35  }
0x1ef: {  	v41 =	vld [tilespmem:s6+$0x1060];
	v4 =	vadd.f32 v28, v26;
	[tilespmem:s6+$0xF030] =	vst v37  }
0x1f0: {  	v43 =	vld [tilespmem:s6+$0x6060];
	v42 =	vadd.f32 v30, v26;
	[tilespmem:s6+$0x10030] =	vst v39  }
0x1f1: {  	v45 =	vld [tilespmem:s6+$0x7060];
	v44 =	vadd.f32 v32, v26;
	[tilespmem:s6+$0xE040] =	vst v4  }
0x1f2: {  	v47 =	vld [tilespmem:s6+$0x8060];
	v46 =	vadd.f32 v36, v34;
	[tilespmem:s6+$0xF040] =	vst v42  }
0x1f3: {  	v48 =	vadd.f32 v38, v34;
	[tilespmem:s6+$0x10040] =	vst v44  }
0x1f4: {  	v50 =	vld [tilespmem:s28+$0x6000];
	v49 =	vadd.f32 v40, v34;
	[tilespmem:s6+$0xE050] =	vst v46  }
0x1f5: {  	v51 =	vld [tilespmem:s25+$0x6000];
	v6 =	vadd.f32 v43, v41;
	[tilespmem:s6+$0xF050] =	vst v48  }
0x1f6: {  	v8 =	vadd.f32 v45, v41;
	[tilespmem:s6+$0x10050] =	vst v49;
	v52 =	vld [tilespmem:s21+$0x6000]  }
0x1f7: {  	v54 =	vadd.f32 v47, v41;
	[tilespmem:s6+$0xE060] =	vst v6;
	v53 =	vld [tilespmem:s22+$0x6000]  }
0x1f8: {  	[tilespmem:s6+$0xF060] =	vst v8;
	v55 =	vld [tilespmem:s14+$0x6000]  }
0x1f9: {  	v0 =	vadd.f32 v50, v0;
	[tilespmem:s6+$0x10060] =	vst v54;
	v56 =	vld [tilespmem:s8+$0x6000]  }
0x1fa: {  	v58 =	vld [tilespmem:s11+$0x6000];
	v57 =	vadd.f32 v51, v1  }
0x1fb: {  	[tilespmem:s28+$0xE000] =	vst v0;
	v59 =	vadd.f32 v52, v2  }
0x1fc: {  	[tilespmem:s25+$0xE000] =	vst v57;
	v60 =	vadd.f32 v53, v10  }
0x1fd: {  	v61 =	vadd.f32 v55, v26;
	[tilespmem:s21+$0xE000] =	vst v59  }
0x1fe: {  	v62 =	vadd.f32 v56, v34;
	[tilespmem:s22+$0xE000] =	vst v60  }
0x1ff: {  	v63 =	vadd.f32 v58, v41;
	[tilespmem:s14+$0xE000] =	vst v61  }
0x200: {  	[tilespmem:s8+$0xE000] =	vst v62  }
0x201: {  	[tilespmem:s11+$0xE000] =	vst v63  }
0x202: {  	s0 =	sand.u32 $0x1FFC00, s0;
	s1 =	rddreg [dreg:$0x10]  }
0x203: {  	s11 =	simm.s32 $0xE000;
	s0 =	sadd.s32 s0, s1  }
0x204: {  	[hbm4b:s0+s29] =	stream.strided.scatter [tilespmem:s11], [sflag:$0x6], $0x1000, s30, s29, $0x38;
	[tilespmem:$0x12000] =	vst v63  }
0x205: {  	s2 =	simm.s32 $0xF000;
	s12 =	sadd.s32 $0x100000, s0  }
0x206: {  	[hbm4b:s12+s29] =	stream.strided.scatter [tilespmem:s2], [sflag:$0x6], $0x1000, s30, s29, $0x38;
	[tilespmem:$0x12000] =	vst v63  }
0x207: {  	s14 =	simm.s32 $0x10000;
	s13 =	sadd.s32 $0x200000, s0  }
0x208: {  	[hbm4b:s13+s29] =	stream.strided.scatter [tilespmem:s14], [sflag:$0x6], $0x1000, s30, s29, $0x38;
	[tilespmem:$0x12000] =	vst v63  }
0x209: {  	s15 =	simm.s32 $0x11000;
	s16 =	sand.u32 $0x1FFC00, s3;
	s0 =	sadd.s32 $0x300000, s0  }
0x20a: {  	[hbm4b:s0+s29] =	stream.strided.scatter [tilespmem:s15], [sflag:$0x6], $0x1000, s30, s29, $0x38;
	[tilespmem:$0x12000] =	vst v63  }
0x20b: {  	s17 =	rddreg [dreg:$0x1];
	s0 =	sor.u32 $0x40, s16  }
0x20c: {  	s18 =	simm.s32 $0x1000;
	s19 =	rddreg [dreg:$0x0];
	s1 =	sadd.s32 s17, s0  }
0x20d: {  	[tilespmem:s18], [sflag:$0x2] =	stream.strided.gather [hbm4b:s1+s29], $0x1000, s30, s29, $0x38;
	[tilespmem:$0x12000] =	vst v63  }
0x20e: {  	s31 =	sadd.s32 $0x1, s31;
	s21 =	simm.s32 $0x6000;
	s0 =	sadd.s32 s19, s0  }
0x20f: {  	[tilespmem:s21], [sflag:$0x4] =	stream.strided.gather [hbm4b:s0+s29], $0x1000, s30, s29, $0x38;
	[tilespmem:$0x12000] =	vst v63  }
0x210: {  	s23 =	simm.s32 $0x7000;
	p0 =	sne.s32 s31, $0x1E;
	s22 =	sadd.s32 $0x100000, s0  }
0x211: {  	[tilespmem:s23], [sflag:$0x4] =	stream.strided.gather [hbm4b:s22+s29], $0x1000, s30, s29, $0x38;
	[tilespmem:$0x12000] =	vst v63  }
.Ltmp4:
0x212: {  	_ = 	snop;
	(pc) =	sbr.rel @p0 .LBB2_6-.Ltmp4, $4  }
0x213: {  	s26 =	simm.s32 $0x8000;
	s25 =	sadd.s32 $0x200000, s0  }
0x214: {  	[tilespmem:s26], [sflag:$0x4] =	stream.strided.gather [hbm4b:s25+s29], $0x1000, s30, s29, $0x38;
	[tilespmem:$0x12000] =	vst v63  }
0x215: {  	s28 =	simm.s32 $0x9000;
	s0 =	sadd.s32 $0x300000, s0  }
0x216: {  	[tilespmem:s28], [sflag:$0x4] =	stream.strided.gather [hbm4b:s0+s29], $0x1000, s30, s29, $0x38;
	[tilespmem:$0x12000] =	vst v63  }
0x217: {  	s0 =	simm.s32 $0x1  }
0x218: {  	_ =	swait.ge [sflag:s0], $0x1000  }
0x219: {  	[sflag:s0] =	ssyncset.done $0x0  }
0x21a: {  	[sflag:s0] =	ssyncadd.s32 $0xFFFFF000  }
0x21b: {  	_ =	swait.ge [sflag:s24], $0x4000  }
0x21c: {  	s22 =	simm.s32 $0x0;
	[sflag:s24] =	ssyncset.done $0x0  }
0x21d: {  	s25 =	sand.u32 $0x7, s22;
	[sflag:s24] =	ssyncadd.s32 $0xFFFFC000  }
0x21e: {  	s0 =	sshll.u32 s25, $0x9;
	_ =	swait.ge [sflag:s20], $0x4000  }
0x21f: {  	s0 =	sadd.s32 $0x0, s0;
	[sflag:s20] =	ssyncset.done $0x0  }
0x220: {  	s1 =	sor.u32 $0x70, s0;
	[sflag:s20] =	ssyncadd.s32 $0xFFFFC000  }
0x221: {  	v2 =	vld [tilespmem:s1+$0x0]  }
0x222: {  	v0 =	vld [tilespmem:s1+$0x2000];
	_ =	sdelay $0x4  }
0x223: {  	v0 =	vadd.f32 v0, v2;
	_ =	sdelay $0x1  }
0x224: {  	s26 =	sor.u32 $0x1070, s0;
	[tilespmem:s1+$0xA000] =	vst v0  }
0x225: {  	v0 =	vld [tilespmem:s26+$0x2000];
	_ =	sdelay $0x4  }
0x226: {  	v0 =	vadd.f32 v0, v2;
	_ =	sdelay $0x1  }
0x227: {  	s0 =	sor.u32 $0x2070, s0;
	[tilespmem:s26+$0xA000] =	vst v0  }
0x228: {  	v0 =	vld [tilespmem:s0+$0x2000];
	_ =	sdelay $0x4  }
0x229: {  	v0 =	vadd.f32 v0, v2  }
0x22a: {  	s28 =	sor.u32 s22, s22  }
0x22b: {  	s2 =	sand.u32 $0x180, s22;
	s3 =	sand.u32 $0xE00, s22;
	s1 =	sor.u32 $0x3070, s28;
	[tilespmem:s0+$0xA000] =	vst v0  }
0x22c: {  	s0 =	sor.u32 s2, s3;
	v3 =	vld [tilespmem:s1+$0x2000]  }
0x22d: {  	v0 =	vld [tilespmem:s0+$0x0]  }
0x22e: {  	v4 =	vld [tilespmem:s0+$0x2000]  }
0x22f: {  	v6 =	vld [tilespmem:s0+$0x3000]  }
0x230: {  	v7 =	vld [tilespmem:s0+$0x4000]  }
0x231: {  	v1 =	vld [tilespmem:s0+$0x10]  }
0x232: {  	s31 =	sand.u32 $0xFFFFFF80, s22;
	v2 =	vadd.f32 v3, v2;
	v3 =	vld [tilespmem:s0+$0x2010]  }
0x233: {  	s7 =	simm.s32 $0x0;
	s2 =	sadd.s32 $0x0, s31;
	v5 =	vld [tilespmem:s0+$0x3010];
	v8 =	vadd.f32 v4, v0  }
0x234: {  	s12 =	simm.s32 $0x1;
	s13 =	simm.s32 $0x0;
	s21 =	sor.u32 $0x3000, s2;
	v6 =	vadd.f32 v6, v0;
	v4 =	vld [tilespmem:s0+$0x4010];
	[tilespmem:s1+$0xA000] =	vst v2  }
0x235: {  	s14 =	sor.u32 $0x3010, s2;
	s8 =	sor.u32 $0x3020, s2;
	s11 =	sor.u32 $0x3030, s2;
	v7 =	vadd.f32 v7, v0;
	[tilespmem:s0+$0xA000] =	vst v8;
	v2 =	vld [tilespmem:s0+$0x20]  }
0x236: {  	s4 =	sor.u32 $0x3040, s2;
	s3 =	sor.u32 $0x3050, s2;
	s6 =	sor.u32 $0x3060, s2;
	[tilespmem:s0+$0xB000] =	vst v6;
	v6 =	vld [tilespmem:s0+$0x2020]  }
.LBB2_12:
0x237: {  	s1 =	sand.u32 $0x7, s12;
	[tilespmem:s0+$0xC000] =	vst v7;
	v3 =	vadd.f32 v3, v1;
	v7 =	vld [tilespmem:s0+$0x3020]  }
0x238: {  	s7 =	sadd.s32 $0x8, s7;
	s22 =	sadd.s32 $0x10, s22;
	s1 =	sshll.u32 s1, $0x9;
	v5 =	vadd.f32 v5, v1;
	v8 =	vld [tilespmem:s0+$0x4020]  }
0x239: {  	s15 =	sand.u32 $0x180, s22;
	p0 =	slt.u32 s7, $0xF8;
	s1 =	sadd.s32 s1, s22;
	[tilespmem:s0+$0xA010] =	vst v3;
	v4 =	vadd.f32 v4, v1;
	v9 =	vld [tilespmem:s0+$0x30]  }
0x23a: {  	s19 =	sand.u32 $0xFFFFFF80, s22;
	s2 =	sor.u32 $0x70, s1;
	[tilespmem:s0+$0xB010] =	vst v5;
	v5 =	vld [tilespmem:s0+$0x2030]  }
0x23b: {  	v3 =	vld [tilespmem:s2+$0x0];
	[tilespmem:s0+$0xC010] =	vst v4;
	v4 =	vadd.f32 v6, v2  }
0x23c: {  	v6 =	vld [tilespmem:s2+$0x2000];
	v7 =	vadd.f32 v7, v2  }
0x23d: {  	[tilespmem:s0+$0xA020] =	vst v4;
	v4 =	vadd.f32 v8, v2;
	v8 =	vld [tilespmem:s0+$0x3030]  }
0x23e: {  	[tilespmem:s0+$0xB020] =	vst v7;
	v7 =	vld [tilespmem:s0+$0x4030]  }
0x23f: {  	[tilespmem:s0+$0xC020] =	vst v4;
	v4 =	vadd.f32 v5, v9;
	v5 =	vld [tilespmem:s0+$0x40]  }
0x240: {  	v10 =	vld [tilespmem:s0+$0x2040]  }
0x241: {  	v6 =	vadd.f32 v6, v3;
	[tilespmem:s0+$0xA030] =	vst v4;
	v4 =	vld [tilespmem:s0+$0x3040]  }
0x242: {  	v8 =	vadd.f32 v8, v9;
	v11 =	vld [tilespmem:s0+$0x4040]  }
0x243: {  	[tilespmem:s2+$0xA000] =	vst v6;
	s2 =	sor.u32 $0x1070, s1;
	v6 =	vadd.f32 v7, v9;
	v7 =	vld [tilespmem:s0+$0x50]  }
0x244: {  	v12 =	vld [tilespmem:s2+$0x2000];
	[tilespmem:s0+$0xB030] =	vst v8  }
0x245: {  	[tilespmem:s0+$0xC030] =	vst v6;
	v6 =	vadd.f32 v10, v5;
	v8 =	vld [tilespmem:s0+$0x2050]  }
0x246: {  	v4 =	vadd.f32 v4, v5;
	v10 =	vld [tilespmem:s0+$0x3050]  }
0x247: {  	[tilespmem:s0+$0xA040] =	vst v6;
	v6 =	vadd.f32 v11, v5;
	v11 =	vld [tilespmem:s0+$0x4050]  }
0x248: {  	[tilespmem:s0+$0xB040] =	vst v4;
	v4 =	vld [tilespmem:s0+$0x60]  }
0x249: {  	v12 =	vadd.f32 v12, v3;
	[tilespmem:s0+$0xC040] =	vst v6;
	v6 =	vld [tilespmem:s0+$0x2060]  }
0x24a: {  	v8 =	vadd.f32 v8, v7;
	v13 =	vld [tilespmem:s0+$0x3060]  }
0x24b: {  	s1 =	sor.u32 $0x2070, s1;
	[tilespmem:s2+$0xA000] =	vst v12;
	v10 =	vadd.f32 v10, v7;
	v12 =	vld [tilespmem:s0+$0x4060]  }
0x24c: {  	v14 =	vld [tilespmem:s1+$0x2000];
	[tilespmem:s0+$0xA050] =	vst v8;
	v8 =	vadd.f32 v11, v7  }
0x24d: {  	v11 =	vld [tilespmem:s21+$0x2000];
	[tilespmem:s0+$0xB050] =	vst v10  }
0x24e: {  	v10 =	vld [tilespmem:s14+$0x2000];
	[tilespmem:s0+$0xC050] =	vst v8;
	v6 =	vadd.f32 v6, v4  }
0x24f: {  	v8 =	vld [tilespmem:s8+$0x2000];
	v13 =	vadd.f32 v13, v4  }
0x250: {  	v15 =	vld [tilespmem:s11+$0x2000];
	[tilespmem:s0+$0xA060] =	vst v6;
	v6 =	vadd.f32 v12, v4  }
0x251: {  	s13 =	sadd.s32 $0x200, s13;
	v12 =	vadd.f32 v14, v3;
	v14 =	vld [tilespmem:s4+$0x2000];
	[tilespmem:s0+$0xB060] =	vst v13  }
0x252: {  	s17 =	sor.u32 s13, s22;
	s16 =	sadd.s32 s19, s13;
	s2 =	sand.u32 $0xE00, s13;
	v0 =	vadd.f32 v11, v0;
	v11 =	vld [tilespmem:s3+$0x2000];
	[tilespmem:s0+$0xC060] =	vst v6  }
0x253: {  	s0 =	sor.u32 s15, s2;
	s2 =	sor.u32 $0x3000, s16;
	[tilespmem:s1+$0xA000] =	vst v12;
	s1 =	sor.u32 $0x3070, s17;
	v1 =	vadd.f32 v10, v1;
	v6 =	vld [tilespmem:s6+$0x2000]  }
0x254: {  	s18 =	sor.u32 $0x3030, s16;
	s15 =	sor.u32 $0x3010, s16;
	s17 =	sor.u32 $0x3020, s16;
	v10 =	vld [tilespmem:s1+$0x2000];
	[tilespmem:s21+$0xA000] =	vst v0;
	v2 =	vadd.f32 v8, v2  }
0x255: {  	s19 =	sor.u32 $0x3040, s16;
	s23 =	sor.u32 $0x3050, s16;
	s16 =	sor.u32 $0x3060, s16;
	v0 =	vld [tilespmem:s0+$0x0];
	[tilespmem:s14+$0xA000] =	vst v1;
	v1 =	vadd.f32 v15, v9  }
0x256: {  	s21 =	smov.u32 s2;
	s14 =	smov.u32 s15;
	v8 =	vld [tilespmem:s0+$0x2000];
	[tilespmem:s8+$0xA000] =	vst v2;
	v2 =	vadd.f32 v14, v5;
	s8 =	smov.u32 s17  }
0x257: {  	v9 =	vld [tilespmem:s0+$0x3000];
	[tilespmem:s11+$0xA000] =	vst v1;
	v5 =	vadd.f32 v11, v7;
	s11 =	smov.u32 s18  }
0x258: {  	v7 =	vld [tilespmem:s0+$0x4000];
	[tilespmem:s4+$0xA000] =	vst v2;
	v2 =	vadd.f32 v6, v4;
	s4 =	smov.u32 s19  }
0x259: {  	v1 =	vld [tilespmem:s0+$0x10];
	v4 =	vadd.f32 v10, v3;
	[tilespmem:s3+$0xA000] =	vst v5;
	s3 =	smov.u32 s23  }
.Ltmp5:
0x25a: {  	v3 =	vld [tilespmem:s0+$0x2010];
	[tilespmem:s6+$0xA000] =	vst v2;
	s6 =	smov.u32 s16;
	(pc) =	sbr.rel @p0 .LBB2_12-.Ltmp5, $4  }
0x25b: {  	v2 =	vadd.f32 v8, v0;
	v5 =	vld [tilespmem:s0+$0x3010];
	[tilespmem:s1+$0xA000] =	vst v4  }
0x25c: {  	v6 =	vadd.f32 v9, v0;
	v4 =	vld [tilespmem:s0+$0x4010]  }
0x25d: {  	[tilespmem:s0+$0xA000] =	vst v2;
	v7 =	vadd.f32 v7, v0;
	v2 =	vld [tilespmem:s0+$0x20]  }
0x25e: {  	s12 =	sadd.s32 $0x1, s12;
	[tilespmem:s0+$0xB000] =	vst v6;
	v6 =	vld [tilespmem:s0+$0x2020]  }
0x25f: {  	v8 =	vld [tilespmem:s0+$0x3020]  }
0x260: {  	v9 =	vld [tilespmem:s0+$0x4020]  }
0x261: {  	v10 =	vld [tilespmem:s0+$0x30]  }
0x262: {  	v11 =	vld [tilespmem:s0+$0x2030]  }
0x263: {  	v12 =	vld [tilespmem:s0+$0x3030]  }
0x264: {  	v3 =	vadd.f32 v3, v1;
	v13 =	vld [tilespmem:s0+$0x4030]  }
0x265: {  	[tilespmem:s0+$0xC000] =	vst v7;
	v7 =	vld [tilespmem:s0+$0x40];
	v5 =	vadd.f32 v5, v1  }
0x266: {  	v56 =	vld [tilespmem:s0+$0x50];
	[tilespmem:s0+$0xA010] =	vst v3;
	v3 =	vadd.f32 v4, v1  }
0x267: {  	v57 =	vld [tilespmem:s0+$0x2050];
	[tilespmem:s0+$0xB010] =	vst v5;
	v5 =	vadd.f32 v6, v2  }
0x268: {  	v4 =	vld [tilespmem:s0+$0x2040];
	[tilespmem:s0+$0xC010] =	vst v3;
	v3 =	vadd.f32 v8, v2  }
0x269: {  	v6 =	vld [tilespmem:s0+$0x3040];
	[tilespmem:s0+$0xA020] =	vst v5;
	v5 =	vadd.f32 v9, v2  }
0x26a: {  	v8 =	vld [tilespmem:s0+$0x4040];
	[tilespmem:s0+$0xB020] =	vst v3;
	v3 =	vadd.f32 v11, v10  }
0x26b: {  	v58 =	vld [tilespmem:s0+$0x3050];
	[tilespmem:s0+$0xC020] =	vst v5;
	v5 =	vadd.f32 v12, v10  }
0x26c: {  	v59 =	vld [tilespmem:s0+$0x4050];
	[tilespmem:s0+$0xA030] =	vst v3;
	v3 =	vadd.f32 v13, v10  }
0x26d: {  	v4 =	vadd.f32 v4, v7;
	[tilespmem:s0+$0xB030] =	vst v5;
	v5 =	vld [tilespmem:s0+$0x60]  }
0x26e: {  	[tilespmem:s0+$0xC030] =	vst v3;
	v3 =	vadd.f32 v6, v7;
	v6 =	vld [tilespmem:s0+$0x2060]  }
0x26f: {  	[tilespmem:s0+$0xA040] =	vst v4;
	v4 =	vadd.f32 v8, v7;
	v8 =	vld [tilespmem:s0+$0x3060]  }
0x270: {  	v60 =	vld [tilespmem:s0+$0x4060];
	[tilespmem:s0+$0xB040] =	vst v3;
	v3 =	vadd.f32 v57, v56  }
0x271: {  	[tilespmem:s0+$0xC040] =	vst v4;
	v4 =	vadd.f32 v58, v56  }
0x272: {  	v61 =	vld [tilespmem:s21+$0x2000];
	[tilespmem:s0+$0xA050] =	vst v3;
	v3 =	vadd.f32 v59, v56  }
0x273: {  	[tilespmem:s0+$0xB050] =	vst v4;
	v4 =	vld [tilespmem:s14+$0x2000];
	v6 =	vadd.f32 v6, v5  }
0x274: {  	v8 =	vadd.f32 v8, v5;
	[tilespmem:s0+$0xC050] =	vst v3;
	v3 =	vld [tilespmem:s8+$0x2000]  }
0x275: {  	v62 =	vld [tilespmem:s11+$0x2000];
	[tilespmem:s0+$0xA060] =	vst v6;
	v6 =	vadd.f32 v60, v5  }
0x276: {  	v63 =	vld [tilespmem:s4+$0x2000];
	[tilespmem:s0+$0xB060] =	vst v8  }
0x277: {  	v0 =	vadd.f32 v61, v0;
	v8 =	vld [tilespmem:s3+$0x2000];
	[tilespmem:s0+$0xC060] =	vst v6  }
0x278: {  	v1 =	vadd.f32 v4, v1;
	v4 =	vld [tilespmem:s6+$0x2000]  }
0x279: {  	[tilespmem:s21+$0xA000] =	vst v0;
	v0 =	vadd.f32 v3, v2  }
0x27a: {  	[tilespmem:s14+$0xA000] =	vst v1;
	v1 =	vadd.f32 v62, v10  }
0x27b: {  	[tilespmem:s8+$0xA000] =	vst v0;
	v0 =	vadd.f32 v63, v7  }
0x27c: {  	[tilespmem:s11+$0xA000] =	vst v1;
	v1 =	vadd.f32 v8, v56  }
0x27d: {  	[tilespmem:s4+$0xA000] =	vst v0;
	v0 =	vadd.f32 v4, v5  }
0x27e: {  	[tilespmem:s3+$0xA000] =	vst v1  }
0x27f: {  	[tilespmem:s6+$0xA000] =	vst v0  }
0x280: {  	s13 =	simm.s32 $0xA000;
	s1 =	rddreg [dreg:$0x11]  }
0x281: {  	[hbm4b:s1+s29] =	stream.strided.scatter [tilespmem:s13], [sflag:$0x5], $0x1000, s30, s29, $0x38;
	[tilespmem:$0x12000] =	vst v63  }
0x282: {  	s2 =	simm.s32 $0xB000;
	s14 =	sadd.s32 $0x100000, s1  }
0x283: {  	[hbm4b:s14+s29] =	stream.strided.scatter [tilespmem:s2], [sflag:$0x5], $0x1000, s30, s29, $0x38;
	[tilespmem:$0x12000] =	vst v63  }
0x284: {  	s16 =	simm.s32 $0xC000;
	s15 =	sadd.s32 $0x200000, s1  }
0x285: {  	[hbm4b:s15+s29] =	stream.strided.scatter [tilespmem:s16], [sflag:$0x5], $0x1000, s30, s29, $0x38;
	[tilespmem:$0x12000] =	vst v63  }
0x286: {  	s18 =	simm.s32 $0xD000;
	s17 =	sadd.s32 $0x300000, s1  }
0x287: {  	[hbm4b:s17+s29] =	stream.strided.scatter [tilespmem:s18], [sflag:$0x5], $0x1000, s30, s29, $0x38;
	[tilespmem:$0x12000] =	vst v63  }
0x288: {  	_ =	swait.ge [sflag:s9], $0x1000  }
0x289: {  	[sflag:s9] =	ssyncset.done $0x0  }
0x28a: {  	[sflag:s9] =	ssyncadd.s32 $0xFFFFF000  }
0x28b: {  	_ =	swait.ge [sflag:s5], $0x4000  }
0x28c: {  	s22 =	simm.s32 $0x0;
	[sflag:s5] =	ssyncset.done $0x0  }
0x28d: {  	s19 =	sand.u32 $0x7, s22;
	[sflag:s5] =	ssyncadd.s32 $0xFFFFC000  }
0x28e: {  	s0 =	sshll.u32 s19, $0x9;
	_ =	swait.ge [sflag:s10], $0x4000  }
0x28f: {  	s0 =	sadd.s32 $0x0, s0;
	[sflag:s10] =	ssyncset.done $0x0  }
0x290: {  	s21 =	sor.u32 $0x70, s0;
	[sflag:s10] =	ssyncadd.s32 $0xFFFFC000  }
0x291: {  	v2 =	vld [tilespmem:s21+$0x1000]  }
0x292: {  	v0 =	vld [tilespmem:s21+$0x6000];
	_ =	sdelay $0x4  }
0x293: {  	v0 =	vadd.f32 v0, v2;
	_ =	sdelay $0x1  }
0x294: {  	s23 =	sor.u32 $0x1070, s0;
	[tilespmem:s21+$0xE000] =	vst v0  }
0x295: {  	v0 =	vld [tilespmem:s23+$0x6000];
	_ =	sdelay $0x4  }
0x296: {  	v0 =	vadd.f32 v0, v2;
	_ =	sdelay $0x1  }
0x297: {  	s0 =	sor.u32 $0x2070, s0;
	[tilespmem:s23+$0xE000] =	vst v0  }
0x298: {  	v0 =	vld [tilespmem:s0+$0x6000];
	_ =	sdelay $0x4  }
0x299: {  	v0 =	vadd.f32 v0, v2  }
0x29a: {  	s25 =	sor.u32 s22, s22  }
0x29b: {  	s26 =	sand.u32 $0x180, s22;
	s28 =	sand.u32 $0xE00, s22;
	s1 =	sor.u32 $0x3070, s25;
	[tilespmem:s0+$0xE000] =	vst v0  }
0x29c: {  	s0 =	sor.u32 s26, s28;
	v3 =	vld [tilespmem:s1+$0x6000]  }
0x29d: {  	v0 =	vld [tilespmem:s0+$0x1000]  }
0x29e: {  	v4 =	vld [tilespmem:s0+$0x6000]  }
0x29f: {  	v6 =	vld [tilespmem:s0+$0x7000]  }
0x2a0: {  	v7 =	vld [tilespmem:s0+$0x8000]  }
0x2a1: {  	v1 =	vld [tilespmem:s0+$0x1010]  }
0x2a2: {  	s31 =	sand.u32 $0xFFFFFF80, s22;
	v2 =	vadd.f32 v3, v2;
	v3 =	vld [tilespmem:s0+$0x6010]  }
0x2a3: {  	s7 =	simm.s32 $0x0;
	s2 =	sadd.s32 $0x0, s31;
	v5 =	vld [tilespmem:s0+$0x7010];
	v8 =	vadd.f32 v4, v0  }
0x2a4: {  	s12 =	simm.s32 $0x1;
	s13 =	simm.s32 $0x0;
	s14 =	sor.u32 $0x3010, s2;
	v6 =	vadd.f32 v6, v0;
	v4 =	vld [tilespmem:s0+$0x8010];
	[tilespmem:s1+$0xE000] =	vst v2  }
0x2a5: {  	s8 =	sor.u32 $0x3020, s2;
	s11 =	sor.u32 $0x3030, s2;
	s4 =	sor.u32 $0x3040, s2;
	v7 =	vadd.f32 v7, v0;
	[tilespmem:s0+$0xE000] =	vst v8;
	v2 =	vld [tilespmem:s0+$0x1020]  }
0x2a6: {  	s3 =	sor.u32 $0x3050, s2;
	s6 =	sor.u32 $0x3060, s2;
	s21 =	sor.u32 $0x3000, s2;
	[tilespmem:s0+$0xF000] =	vst v6;
	v6 =	vld [tilespmem:s0+$0x6020]  }
.LBB2_14:
0x2a7: {  	s1 =	sand.u32 $0x7, s12;
	[tilespmem:s0+$0x10000] =	vst v7;
	v3 =	vadd.f32 v3, v1;
	v7 =	vld [tilespmem:s0+$0x7020]  }
0x2a8: {  	s7 =	sadd.s32 $0x8, s7;
	s22 =	sadd.s32 $0x10, s22;
	s1 =	sshll.u32 s1, $0x9;
	v5 =	vadd.f32 v5, v1;
	v8 =	vld [tilespmem:s0+$0x8020]  }
0x2a9: {  	s15 =	sand.u32 $0x180, s22;
	p0 =	slt.u32 s7, $0xF8;
	s1 =	sadd.s32 s1, s22;
	[tilespmem:s0+$0xE010] =	vst v3;
	v4 =	vadd.f32 v4, v1;
	v9 =	vld [tilespmem:s0+$0x1030]  }
0x2aa: {  	s19 =	sand.u32 $0xFFFFFF80, s22;
	s2 =	sor.u32 $0x70, s1;
	[tilespmem:s0+$0xF010] =	vst v5;
	v5 =	vld [tilespmem:s0+$0x6030]  }
0x2ab: {  	v3 =	vld [tilespmem:s2+$0x1000];
	[tilespmem:s0+$0x10010] =	vst v4;
	v4 =	vadd.f32 v6, v2  }
0x2ac: {  	v6 =	vld [tilespmem:s2+$0x6000];
	v7 =	vadd.f32 v7, v2  }
0x2ad: {  	[tilespmem:s0+$0xE020] =	vst v4;
	v4 =	vadd.f32 v8, v2;
	v8 =	vld [tilespmem:s0+$0x7030]  }
0x2ae: {  	[tilespmem:s0+$0xF020] =	vst v7;
	v7 =	vld [tilespmem:s0+$0x8030]  }
0x2af: {  	[tilespmem:s0+$0x10020] =	vst v4;
	v4 =	vadd.f32 v5, v9;
	v5 =	vld [tilespmem:s0+$0x1040]  }
0x2b0: {  	v10 =	vld [tilespmem:s0+$0x6040]  }
0x2b1: {  	v6 =	vadd.f32 v6, v3;
	[tilespmem:s0+$0xE030] =	vst v4;
	v4 =	vld [tilespmem:s0+$0x7040]  }
0x2b2: {  	v8 =	vadd.f32 v8, v9;
	v11 =	vld [tilespmem:s0+$0x8040]  }
0x2b3: {  	[tilespmem:s2+$0xE000] =	vst v6;
	s2 =	sor.u32 $0x1070, s1;
	v6 =	vadd.f32 v7, v9;
	v7 =	vld [tilespmem:s0+$0x1050]  }
0x2b4: {  	v12 =	vld [tilespmem:s2+$0x6000];
	[tilespmem:s0+$0xF030] =	vst v8  }
0x2b5: {  	[tilespmem:s0+$0x10030] =	vst v6;
	v6 =	vadd.f32 v10, v5;
	v8 =	vld [tilespmem:s0+$0x6050]  }
0x2b6: {  	v4 =	vadd.f32 v4, v5;
	v10 =	vld [tilespmem:s0+$0x7050]  }
0x2b7: {  	[tilespmem:s0+$0xE040] =	vst v6;
	v6 =	vadd.f32 v11, v5;
	v11 =	vld [tilespmem:s0+$0x8050]  }
0x2b8: {  	[tilespmem:s0+$0xF040] =	vst v4;
	v4 =	vld [tilespmem:s0+$0x1060]  }
0x2b9: {  	v12 =	vadd.f32 v12, v3;
	[tilespmem:s0+$0x10040] =	vst v6;
	v6 =	vld [tilespmem:s0+$0x6060]  }
0x2ba: {  	v8 =	vadd.f32 v8, v7;
	v13 =	vld [tilespmem:s0+$0x7060]  }
0x2bb: {  	s1 =	sor.u32 $0x2070, s1;
	[tilespmem:s2+$0xE000] =	vst v12;
	v10 =	vadd.f32 v10, v7;
	v12 =	vld [tilespmem:s0+$0x8060]  }
0x2bc: {  	v14 =	vld [tilespmem:s1+$0x6000];
	[tilespmem:s0+$0xE050] =	vst v8;
	v8 =	vadd.f32 v11, v7  }
0x2bd: {  	v11 =	vld [tilespmem:s21+$0x6000];
	[tilespmem:s0+$0xF050] =	vst v10  }
0x2be: {  	v10 =	vld [tilespmem:s14+$0x6000];
	[tilespmem:s0+$0x10050] =	vst v8;
	v6 =	vadd.f32 v6, v4  }
0x2bf: {  	v8 =	vld [tilespmem:s8+$0x6000];
	v13 =	vadd.f32 v13, v4  }
0x2c0: {  	v15 =	vld [tilespmem:s11+$0x6000];
	[tilespmem:s0+$0xE060] =	vst v6;
	v6 =	vadd.f32 v12, v4  }
0x2c1: {  	s13 =	sadd.s32 $0x200, s13;
	v12 =	vadd.f32 v14, v3;
	v14 =	vld [tilespmem:s4+$0x6000];
	[tilespmem:s0+$0xF060] =	vst v13  }
0x2c2: {  	s17 =	sor.u32 s13, s22;
	s16 =	sadd.s32 s19, s13;
	s2 =	sand.u32 $0xE00, s13;
	v0 =	vadd.f32 v11, v0;
	v11 =	vld [tilespmem:s3+$0x6000];
	[tilespmem:s0+$0x10060] =	vst v6  }
0x2c3: {  	s0 =	sor.u32 s15, s2;
	s2 =	sor.u32 $0x3000, s16;
	[tilespmem:s1+$0xE000] =	vst v12;
	s1 =	sor.u32 $0x3070, s17;
	v1 =	vadd.f32 v10, v1;
	v6 =	vld [tilespmem:s6+$0x6000]  }
0x2c4: {  	s18 =	sor.u32 $0x3030, s16;
	s15 =	sor.u32 $0x3010, s16;
	s17 =	sor.u32 $0x3020, s16;
	v10 =	vld [tilespmem:s1+$0x6000];
	[tilespmem:s21+$0xE000] =	vst v0;
	v2 =	vadd.f32 v8, v2  }
0x2c5: {  	s19 =	sor.u32 $0x3040, s16;
	s23 =	sor.u32 $0x3050, s16;
	s16 =	sor.u32 $0x3060, s16;
	v0 =	vld [tilespmem:s0+$0x1000];
	[tilespmem:s14+$0xE000] =	vst v1;
	v1 =	vadd.f32 v15, v9  }
0x2c6: {  	s21 =	smov.u32 s2;
	s14 =	smov.u32 s15;
	v8 =	vld [tilespmem:s0+$0x6000];
	[tilespmem:s8+$0xE000] =	vst v2;
	v2 =	vadd.f32 v14, v5;
	s8 =	smov.u32 s17  }
0x2c7: {  	v9 =	vld [tilespmem:s0+$0x7000];
	[tilespmem:s11+$0xE000] =	vst v1;
	v5 =	vadd.f32 v11, v7;
	s11 =	smov.u32 s18  }
0x2c8: {  	v7 =	vld [tilespmem:s0+$0x8000];
	[tilespmem:s4+$0xE000] =	vst v2;
	v2 =	vadd.f32 v6, v4;
	s4 =	smov.u32 s19  }
0x2c9: {  	v1 =	vld [tilespmem:s0+$0x1010];
	v4 =	vadd.f32 v10, v3;
	[tilespmem:s3+$0xE000] =	vst v5;
	s3 =	smov.u32 s23  }
.Ltmp6:
0x2ca: {  	v3 =	vld [tilespmem:s0+$0x6010];
	[tilespmem:s6+$0xE000] =	vst v2;
	s6 =	smov.u32 s16;
	(pc) =	sbr.rel @p0 .LBB2_14-.Ltmp6, $4  }
0x2cb: {  	v2 =	vadd.f32 v8, v0;
	v5 =	vld [tilespmem:s0+$0x7010];
	[tilespmem:s1+$0xE000] =	vst v4  }
0x2cc: {  	v6 =	vadd.f32 v9, v0;
	v4 =	vld [tilespmem:s0+$0x8010]  }
0x2cd: {  	[tilespmem:s0+$0xE000] =	vst v2;
	v7 =	vadd.f32 v7, v0;
	v2 =	vld [tilespmem:s0+$0x1020]  }
0x2ce: {  	s12 =	sadd.s32 $0x1, s12;
	[tilespmem:s0+$0xF000] =	vst v6;
	v6 =	vld [tilespmem:s0+$0x6020]  }
0x2cf: {  	v8 =	vld [tilespmem:s0+$0x7020]  }
0x2d0: {  	v9 =	vld [tilespmem:s0+$0x8020]  }
0x2d1: {  	v10 =	vld [tilespmem:s0+$0x1030]  }
0x2d2: {  	v11 =	vld [tilespmem:s0+$0x6030]  }
0x2d3: {  	v12 =	vld [tilespmem:s0+$0x7030]  }
0x2d4: {  	v3 =	vadd.f32 v3, v1;
	v13 =	vld [tilespmem:s0+$0x8030]  }
0x2d5: {  	[tilespmem:s0+$0x10000] =	vst v7;
	v26 =	vld [tilespmem:s0+$0x1040];
	v5 =	vadd.f32 v5, v1  }
0x2d6: {  	v28 =	vld [tilespmem:s0+$0x6040];
	[tilespmem:s0+$0xE010] =	vst v3;
	v27 =	vadd.f32 v4, v1  }
0x2d7: {  	v30 =	vld [tilespmem:s0+$0x7040];
	[tilespmem:s0+$0xF010] =	vst v5;
	v29 =	vadd.f32 v6, v2  }
0x2d8: {  	v32 =	vld [tilespmem:s0+$0x8040];
	[tilespmem:s0+$0x10010] =	vst v27;
	v31 =	vadd.f32 v8, v2  }
0x2d9: {  	v34 =	vld [tilespmem:s0+$0x1050];
	v33 =	vadd.f32 v9, v2;
	[tilespmem:s0+$0xE020] =	vst v29  }
0x2da: {  	v36 =	vld [tilespmem:s0+$0x6050];
	v35 =	vadd.f32 v11, v10;
	[tilespmem:s0+$0xF020] =	vst v31  }
0x2db: {  	v38 =	vld [tilespmem:s0+$0x7050];
	v37 =	vadd.f32 v12, v10;
	[tilespmem:s0+$0x10020] =	vst v33  }
0x2dc: {  	v40 =	vld [tilespmem:s0+$0x8050];
	v39 =	vadd.f32 v13, v10;
	[tilespmem:s0+$0xE030] =	vst v35  }
0x2dd: {  	v41 =	vld [tilespmem:s0+$0x1060];
	v4 =	vadd.f32 v28, v26;
	[tilespmem:s0+$0xF030] =	vst v37  }
0x2de: {  	v43 =	vld [tilespmem:s0+$0x6060];
	v42 =	vadd.f32 v30, v26;
	[tilespmem:s0+$0x10030] =	vst v39  }
0x2df: {  	v45 =	vld [tilespmem:s0+$0x7060];
	v44 =	vadd.f32 v32, v26;
	[tilespmem:s0+$0xE040] =	vst v4  }
0x2e0: {  	v47 =	vld [tilespmem:s0+$0x8060];
	v46 =	vadd.f32 v36, v34;
	[tilespmem:s0+$0xF040] =	vst v42  }
0x2e1: {  	v48 =	vadd.f32 v38, v34;
	[tilespmem:s0+$0x10040] =	vst v44  }
0x2e2: {  	v50 =	vld [tilespmem:s21+$0x6000];
	v49 =	vadd.f32 v40, v34;
	[tilespmem:s0+$0xE050] =	vst v46  }
0x2e3: {  	v51 =	vld [tilespmem:s14+$0x6000];
	v6 =	vadd.f32 v43, v41;
	[tilespmem:s0+$0xF050] =	vst v48  }
0x2e4: {  	v8 =	vadd.f32 v45, v41;
	[tilespmem:s0+$0x10050] =	vst v49;
	v52 =	vld [tilespmem:s8+$0x6000]  }
0x2e5: {  	v54 =	vadd.f32 v47, v41;
	[tilespmem:s0+$0xE060] =	vst v6;
	v53 =	vld [tilespmem:s11+$0x6000]  }
0x2e6: {  	[tilespmem:s0+$0xF060] =	vst v8;
	v55 =	vld [tilespmem:s4+$0x6000]  }
0x2e7: {  	v0 =	vadd.f32 v50, v0;
	[tilespmem:s0+$0x10060] =	vst v54;
	v56 =	vld [tilespmem:s3+$0x6000]  }
0x2e8: {  	v58 =	vld [tilespmem:s6+$0x6000];
	v57 =	vadd.f32 v51, v1  }
0x2e9: {  	[tilespmem:s21+$0xE000] =	vst v0;
	v59 =	vadd.f32 v52, v2  }
0x2ea: {  	[tilespmem:s14+$0xE000] =	vst v57;
	v60 =	vadd.f32 v53, v10  }
0x2eb: {  	v61 =	vadd.f32 v55, v26;
	[tilespmem:s8+$0xE000] =	vst v59  }
0x2ec: {  	v62 =	vadd.f32 v56, v34;
	[tilespmem:s11+$0xE000] =	vst v60  }
0x2ed: {  	v63 =	vadd.f32 v58, v41;
	[tilespmem:s4+$0xE000] =	vst v61  }
0x2ee: {  	[tilespmem:s3+$0xE000] =	vst v62  }
0x2ef: {  	[tilespmem:s6+$0xE000] =	vst v63  }
0x2f0: {  	s19 =	simm.s32 $0xE000;
	s1 =	rddreg [dreg:$0x12]  }
0x2f1: {  	[hbm4b:s1+s29] =	stream.strided.scatter [tilespmem:s19], [sflag:$0x6], $0x1000, s30, s29, $0x38;
	[tilespmem:$0x12000] =	vst v63  }
0x2f2: {  	s2 =	simm.s32 $0xF000;
	s21 =	sadd.s32 $0x100000, s1  }
0x2f3: {  	[hbm4b:s21+s29] =	stream.strided.scatter [tilespmem:s2], [sflag:$0x6], $0x1000, s30, s29, $0x38;
	[tilespmem:$0x12000] =	vst v63  }
0x2f4: {  	s23 =	simm.s32 $0x10000;
	s22 =	sadd.s32 $0x200000, s1  }
0x2f5: {  	[hbm4b:s22+s29] =	stream.strided.scatter [tilespmem:s23], [sflag:$0x6], $0x1000, s30, s29, $0x38;
	[tilespmem:$0x12000] =	vst v63  }
0x2f6: {  	s26 =	simm.s32 $0x11000;
	s25 =	sadd.s32 $0x300000, s1  }
0x2f7: {  	[hbm4b:s25+s29] =	stream.strided.scatter [tilespmem:s26], [sflag:$0x6], $0x1000, s30, s29, $0x38;
	[tilespmem:$0x12000] =	vst v63  }
0x2f8: {  	_ =	swait.ge [sflag:s20], $0x4000  }
0x2f9: {  	[sflag:s20] =	ssyncset.done $0x0  }
0x2fa: {  	[sflag:s20] =	ssyncadd.s32 $0xFFFFC000  }
0x2fb: {  	_ =	swait.ge [sflag:s10], $0x4000  }
0x2fc: {  	s28 =	rddreg [dreg:$0x1a]  }
0x2fd: {  	s31 =	rddreg [dreg:$0x13];
	s1 =	sadd.s32 $0x1, s28  }
0x2fe: {  	p0 =	sne.s32 s1, s31  }
.Ltmp7:
0x2ff: {  	_ = 	snop;
	(pc) =	sbr.rel @p0 .LBB2_1-.Ltmp7, $3  }
0x300: {  	_ =	sdelay $0x1  }
0x301: {  	[sflag:s10] =	ssyncset.done $0x0  }
0x302: {  	[sflag:s10] =	ssyncadd.s32 $0xFFFFC000  }
0x303: {  	_ =	sfence.sel $0x180000  }
0x304: {  	[bflag:$0x0] =	sbarrier.arrive $0xFFFF  }
0x305: {  	_ =	strace $0x90000047  }
0x306: {  	s0 =	stileid.u32;
	[bflag:$0x2] =	sbarrier.arrive $0xFFFF  }
0x307: {  	p0 =	sne.s32 s0, $0x0;
	s0 =	rddreg [dreg:$0x3]  }
0x308: {  	s0 =	sadd.s32 @!p0 $0x100000, s0  }
0x309: {  	[sflag:s0] =	ssyncadd.tile.s32 @!p0 $0x1;
	_ =	shalt  }
.Lfunc_end2:
_tile_overlayer_lowered:
.L_overlay_start_2:
0x30a: {  	(tag) =	ssettag $0x2  }
0x30b: {  	s0 =	rddreg [dreg:$0x0];
	s2 =	stileid.u32  }
0x30c: {  	s1 =	rddreg [dreg:$0x1];
	p0 =	sne.s32 s2, $0x0  }
0x30d: {  	s3 =	rddreg [dreg:$0x2];
	[bflag:$0x3] =	sbarrier.arrive $0xFFFF;
	s2 =	simm.s32 @!p0 $0x1C07  }
0x30e: {  	[timem:s3], [sflag:s2] =	dma.local @!p0 [hbm:s0], s1  }
0x30f: {  	s0 =	simm.s32 @!p0 $0x7  }
0x310: {  	_ =	swait.ge @!p0 [sflag:s0], s1  }
0x311: {  	s1 =	ssub.s32 @!p0 $0x0, s1;
	[sflag:s0] =	ssyncset.done @!p0 $0x0  }
0x312: {  	[sflag:s0] =	ssyncadd.s32 @!p0 s1  }
0x313: {  	[bflag:$0x3] =	sbarrier.arrive $0xFFFF  }
0x314: {  	_ =	shalt  }

</sc_bundles>
